<compile_context>
chip_gen: v7x
topology: tpu7x:2x2x1
jax: 0.10.2.dev20260603
libtpu: 0.0.44.dev20260713+nightly
codegen_flags: <defaults>
</compile_context>

<pallas_src>
import functools
import numpy as np
import jax
import jax.numpy as jnp
from jax import lax
from jax.experimental import pallas as pl
from jax.experimental.pallas import tpu as pltpu
from jax.experimental.pallas import tpu_sc as plsc

ALPHA = 0.1
THETA = 0.5

NC = 2
NS = 16
NW = NC * NS
K = 128
SPLIT0 = 0.70



def _make_deg_kernel(n_pad, chunks0, chunks1):
    npt = n_pad // NS
    cmax = max(chunks0, chunks1)
    mesh = plsc.VectorSubcoreMesh(core_axis_name="c", subcore_axis_name="s")

    @functools.partial(
        pl.kernel,
        out_type=jax.ShapeDtypeStruct((NC * n_pad,), jnp.float32),
        mesh=mesh,
        scratch_types=[
            pltpu.VMEM((cmax, K), jnp.int32),
            pltpu.VMEM((K,), jnp.float32),
            pltpu.VMEM_SHARED((n_pad,), jnp.float32),
            pltpu.SemaphoreType.DMA,
        ],
    )
    def deg_kernel(col_hbm, zrow_hbm, out_hbm, col_v, ones_v, acc, sem):
        cid = lax.axis_index("c")
        sid = lax.axis_index("s")
        wid = cid * NS + sid
        nchunks = lax.select(cid == 0, chunks0, chunks1)
        pltpu.sync_copy(col_hbm.at[wid], col_v)

        def fill(i, _):
            ones_v[pl.ds(i * 16, 16)] = jnp.ones((16,), jnp.float32)
            return 0
        lax.fori_loop(0, K // 16, fill, 0)

        pltpu.sync_copy(zrow_hbm, acc.at[pl.ds(sid * npt, npt)])
        plsc.subcore_barrier()

        def step(j, _):
            pltpu.sync_copy(ones_v, acc.at[col_v.at[j]], add=True)
            return 0
        lax.fori_loop(0, nchunks, step, 0)

        plsc.subcore_barrier()
        pltpu.sync_copy(acc.at[pl.ds(sid * npt, npt)],
                        out_hbm.at[pl.ds(cid * n_pad + sid * npt, npt)])

    return deg_kernel


def _make_spmm_kernel(n_pad, d, chunks0, chunks1):
    npt = n_pad // NS
    cmax = max(chunks0, chunks1)
    mesh = plsc.VectorSubcoreMesh(core_axis_name="c", subcore_axis_name="s")

    @functools.partial(
        pl.kernel,
        out_type=jax.ShapeDtypeStruct((NC, n_pad, d), jnp.float32),
        mesh=mesh,
        scratch_types=[
            pltpu.VMEM((cmax, K), jnp.int32),
            pltpu.VMEM((cmax, K), jnp.int32),
            pltpu.VMEM((K, d), jnp.float32),
            pltpu.VMEM_SHARED((n_pad, d), jnp.float32),
            pltpu.SemaphoreType.DMA,
        ],
    )
    def spmm_kernel(g_hbm, row_hbm, col_hbm, zblk_hbm, out_hbm,
                    row_v, col_v, buf, acc, gs0):
        cid = lax.axis_index("c")
        sid = lax.axis_index("s")
        wid = cid * NS + sid
        nchunks = lax.select(cid == 0, chunks0, chunks1)
        pltpu.sync_copy(row_hbm.at[wid], row_v)
        pltpu.sync_copy(col_hbm.at[wid], col_v)
        pltpu.sync_copy(zblk_hbm, acc.at[pl.ds(sid * npt, npt)])
        plsc.subcore_barrier()

        def step(j, _):
            pltpu.async_copy(g_hbm.at[row_v.at[j]], buf, gs0).wait()
            pltpu.sync_copy(buf, acc.at[col_v.at[j]], add=True)
            return 0
        lax.fori_loop(0, nchunks, step, 0)

        plsc.subcore_barrier()
        pltpu.sync_copy(acc.at[pl.ds(sid * npt, npt)],
                        out_hbm.at[cid, pl.ds(sid * npt, npt)])

    return spmm_kernel



def _init_body(x_ref, w_ref, b_ref, d0_ref, d1_ref,
               x0_ref, g0_ref, dinv_ref):
    x0 = jnp.dot(x_ref[...], w_ref[...],
                 preferred_element_type=jnp.float32) + b_ref[...]
    deg = d0_ref[...] + d1_ref[...] + 1.0
    dinv = lax.rsqrt(deg)
    x0_ref[...] = x0
    g0_ref[...] = dinv * x0
    dinv_ref[...] = dinv


def _make_init_kernel(n_pad, d_in, d_hid, blk):
    return pl.pallas_call(
        _init_body,
        grid=(n_pad // blk,),
        in_specs=[
            pl.BlockSpec((blk, d_in), lambda i: (i, 0)),
            pl.BlockSpec((d_in, d_hid), lambda i: (0, 0)),
            pl.BlockSpec((1, d_hid), lambda i: (0, 0)),
            pl.BlockSpec((blk, 1), lambda i: (i, 0)),
            pl.BlockSpec((blk, 1), lambda i: (i, 0)),
        ],
        out_specs=[
            pl.BlockSpec((blk, d_hid), lambda i: (i, 0)),
            pl.BlockSpec((blk, d_hid), lambda i: (i, 0)),
            pl.BlockSpec((blk, 1), lambda i: (i, 0)),
        ],
        out_shape=[
            jax.ShapeDtypeStruct((n_pad, d_hid), jnp.float32),
            jax.ShapeDtypeStruct((n_pad, d_hid), jnp.float32),
            jax.ShapeDtypeStruct((n_pad, 1), jnp.float32),
        ],
    )


def _layer_body(beta, s0_ref, s1_ref, g_ref, x0_ref, dinv_ref, w_ref,
                gn_ref):
    dinv = dinv_ref[...]
    agg = dinv * (s0_ref[...] + s1_ref[...] + g_ref[...])
    out = (1.0 - ALPHA) * agg + ALPHA * x0_ref[...]
    h = (1.0 - beta) * out + beta * jnp.dot(
        out, w_ref[...], preferred_element_type=jnp.float32)
    gn_ref[...] = dinv * jnp.maximum(h, 0.0)


def _make_layer_kernel(beta, n_pad, d_hid, blk):
    return pl.pallas_call(
        functools.partial(_layer_body, beta),
        grid=(n_pad // blk,),
        in_specs=[
            pl.BlockSpec((blk, d_hid), lambda i: (i, 0)),
            pl.BlockSpec((blk, d_hid), lambda i: (i, 0)),
            pl.BlockSpec((blk, d_hid), lambda i: (i, 0)),
            pl.BlockSpec((blk, d_hid), lambda i: (i, 0)),
            pl.BlockSpec((blk, 1), lambda i: (i, 0)),
            pl.BlockSpec((d_hid, d_hid), lambda i: (0, 0)),
        ],
        out_specs=pl.BlockSpec((blk, d_hid), lambda i: (i, 0)),
        out_shape=jax.ShapeDtypeStruct((n_pad, d_hid), jnp.float32),
    )


def _final_body(beta, s0_ref, s1_ref, g_ref, x0_ref, dinv_ref, w_ref,
                w1_ref, b1_ref, y_ref):
    agg = dinv_ref[...] * (s0_ref[...] + s1_ref[...] + g_ref[...])
    out = (1.0 - ALPHA) * agg + ALPHA * x0_ref[...]
    h = (1.0 - beta) * out + beta * jnp.dot(
        out, w_ref[...], preferred_element_type=jnp.float32)
    h = jnp.maximum(h, 0.0)
    y_ref[...] = jnp.dot(h, w1_ref[...],
                         preferred_element_type=jnp.float32) + b1_ref[...]


def _make_final_kernel(beta, n_pad, d_hid, d_out, blk):
    return pl.pallas_call(
        functools.partial(_final_body, beta),
        grid=(n_pad // blk,),
        in_specs=[
            pl.BlockSpec((blk, d_hid), lambda i: (i, 0)),
            pl.BlockSpec((blk, d_hid), lambda i: (i, 0)),
            pl.BlockSpec((blk, d_hid), lambda i: (i, 0)),
            pl.BlockSpec((blk, d_hid), lambda i: (i, 0)),
            pl.BlockSpec((blk, 1), lambda i: (i, 0)),
            pl.BlockSpec((d_hid, d_hid), lambda i: (0, 0)),
            pl.BlockSpec((d_hid, d_out), lambda i: (0, 0)),
            pl.BlockSpec((1, d_out), lambda i: (0, 0)),
        ],
        out_specs=pl.BlockSpec((blk, d_out), lambda i: (i, 0)),
        out_shape=jax.ShapeDtypeStruct((n_pad, d_out), jnp.float32),
    )



@jax.jit
def kernel(x, edge_index, lin0_w, lin0_b, conv_ws, lin1_w, lin1_b):
    n, d_in = x.shape
    d_hid = lin0_w.shape[0]
    d_out = lin1_w.shape[0]
    n_l = conv_ws.shape[0]
    e = edge_index.shape[1]

    n_pad = ((n + NS * 128 - 1) // (NS * 128)) * (NS * 128)
    ctot = -(-e // (NS * K))
    c0 = 2 * int(round(ctot * SPLIT0 / 2))
    c1 = 2 * (-(-(ctot - c0) // 2))
    ctot = c0 + c1
    cmax = max(c0, c1)
    e_pad = NS * K * ctot

    def shard(arr, fill):
        a = jnp.concatenate(
            [arr, jnp.full((e_pad - e,), fill, edge_index.dtype)])
        pa = a[:NS * c0 * K].reshape(NS, c0, K)
        pb = a[NS * c0 * K:].reshape(NS, c1, K)
        pa = jnp.pad(pa, ((0, 0), (0, cmax - c0), (0, 0)))
        pb = jnp.pad(pb, ((0, 0), (0, cmax - c1), (0, 0)))
        return jnp.concatenate([pa, pb], axis=0)

    row3 = shard(edge_index[0], 0)
    col3 = shard(edge_index[1], n_pad - 1)

    x_pad = jnp.pad(x, ((0, n_pad - n), (0, 0)))
    zrow = jnp.zeros((n_pad // NS,), jnp.float32)
    zblk = jnp.zeros((n_pad // NS, d_hid), jnp.float32)

    deg = _make_deg_kernel(n_pad, c0, c1)(col3, zrow).reshape(NC, n_pad)
    x0, g, dinv = _make_init_kernel(n_pad, d_in, d_hid, 2048)(
        x_pad, lin0_w.T, lin0_b[None, :], deg[0][:, None], deg[1][:, None])

    spmm = _make_spmm_kernel(n_pad, d_hid, c0, c1)
    for i in range(n_l):
        beta = float(np.log(THETA / (i + 1) + 1.0))
        s = spmm(g, row3, col3, zblk)
        if i + 1 < n_l:
            g = _make_layer_kernel(beta, n_pad, d_hid, 2048)(
                s[0], s[1], g, x0, dinv, conv_ws[i])
        else:
            y = _make_final_kernel(beta, n_pad, d_hid, d_out, 2048)(
                s[0], s[1], g, x0, dinv, conv_ws[i], lin1_w.T,
                lin1_b[None, :])
    return y[:n]

# --- scband reference (transcript-rebuilt; emitter-appended) ---
"""Pipeline reference for scband-gcnii-730144440423 (READ-ONLY COPY).

The authoritative reference and input builder live on the scoring server;
editing this copy changes nothing except your own understanding.
"""

import jax, jax.numpy as jnp
import numpy as np

N = 10000
E = 320000
D_IN = 128
D_HID = 128
D_OUT = 128
L = 4
ALPHA = 0.1
THETA = 0.5


def setup_inputs(seed: int = 0) -> dict:
    key = jax.random.key(seed)
    ks = jax.random.split(key, 8)
    x = jax.random.normal(ks[0], (N, D_IN), dtype=jnp.float32)
    edge_index = jax.random.randint(ks[1], (2, E), 0, N, dtype=jnp.int32)
    s0 = 1.0 / np.sqrt(D_IN)
    lin0_w = jax.random.uniform(ks[2], (D_HID, D_IN), dtype=jnp.float32, minval=-s0, maxval=s0)
    lin0_b = jax.random.uniform(ks[3], (D_HID,), dtype=jnp.float32, minval=-s0, maxval=s0)
    sh = 1.0 / np.sqrt(D_HID)
    conv_ws = jax.random.uniform(ks[4], (L, D_HID, D_HID), dtype=jnp.float32, minval=-sh, maxval=sh)
    lin1_w = jax.random.uniform(ks[5], (D_OUT, D_HID), dtype=jnp.float32, minval=-sh, maxval=sh)
    lin1_b = jax.random.uniform(ks[6], (D_OUT,), dtype=jnp.float32, minval=-sh, maxval=sh)
    return {"x": x, "edge_index": edge_index, "lin0_w": lin0_w, "lin0_b": lin0_b,
            "conv_ws": conv_ws, "lin1_w": lin1_w, "lin1_b": lin1_b}


def _propagate(h, row, col, n):
    # GCN normalization with self-loops already appended to row/col
    deg = jnp.zeros((n,), dtype=h.dtype).at[col].add(1.0)
    dinv = jax.lax.rsqrt(deg)
    norm = dinv[row] * dinv[col]
    msg = h[row] * norm[:, None]
    return jnp.zeros_like(h).at[col].add(msg)


def reference(x, edge_index, lin0_w, lin0_b, conv_ws, lin1_w, lin1_b):
    n = x.shape[0]
    loop = jnp.arange(n, dtype=edge_index.dtype)
    row = jnp.concatenate([edge_index[0], loop])
    col = jnp.concatenate([edge_index[1], loop])
    x0 = x @ lin0_w.T + lin0_b
    h = x0
    for i in range(conv_ws.shape[0]):
        beta = float(np.log(THETA / (i + 1) + 1.0))
        agg = _propagate(h, row, col, n)
        out = (1.0 - ALPHA) * agg + ALPHA * x0
        h = (1.0 - beta) * out + beta * (out @ conv_ws[i])
        h = jax.nn.relu(h)
    return h @ lin1_w.T + lin1_b

if __name__ == "__main__":
    import jax
    _d = setup_inputs()
    print(jax.jit(kernel)(*tuple(_d.values())))

</pallas_src>

<mosaic_0001>
#map = affine_map<(d0, d1) -> (0, 0)>
#map1 = affine_map<(d0, d1) -> (0, 0, 0)>
module attributes {stable_mosaic.version = 14 : i64} {
  func.func @spmm_kernel(%arg0: i32, %arg1: i32, %arg2: memref<10240x128xf32, #tpu.memory_space<hbm>>, %arg3: memref<32x110x128xi32, #tpu.memory_space<hbm>>, %arg4: memref<32x110x128xi32, #tpu.memory_space<hbm>>, %arg5: memref<640x128xf32, #tpu.memory_space<hbm>>, %arg6: memref<2x10240x128xf32, #tpu.memory_space<hbm>>, %arg7: memref<110x128xi32, #tpu.memory_space<vmem>>, %arg8: memref<110x128xi32, #tpu.memory_space<vmem>>, %arg9: memref<128x128xf32, #tpu.memory_space<vmem>>, %arg10: memref<10240x128xf32, #tpu.memory_space<vmem_shared>>, %arg11: memref<!tpu.dma_semaphore, #tpu.memory_space<semaphore_mem>>) attributes {dimension_semantics = [#tpu.dimension_semantics<core_parallel>, #tpu.dimension_semantics<subcore_parallel>], iteration_bounds = array<i64: 2, 16>, scalar_prefetch = 0 : i64, scratch_operands = 5 : i64, tpu.core_type = #tpu.core_type<sc_vector_subcore>, window_params = [{transform_indices = #map}, {transform_indices = #map1}, {transform_indices = #map1}, {transform_indices = #map}, {transform_indices = #map1}]} {
    %mul3A = arith.constant 16 : i32
    %mul3A_0 = arith.muli %arg0, %mul3A : i32
    %add3A = arith.addi %mul3A_0, %arg1 : i32
    %eq3A = arith.constant 0 : i32
    %eq3A_1 = arith.cmpi eq, %arg0, %eq3A : i32
    %select_n3A = arith.constant 48 : i32
    %select_n3A_2 = arith.constant 110 : i32
    %select_n3A_3 = arith.select %eq3A_1, %select_n3A_2, %select_n3A : i32
    "tpu.region"() ({
      %run_scoped3A = tpu.sem_alloc : memref<!tpu.dma_semaphore, #tpu.memory_space<semaphore_mem>>
      %dma_start3A = arith.constant 0 : i32
      %dma_start3A_22 = arith.constant 0 : i32
      %dma_start3A_23 = tpu.memref_slice %arg3[%add3A, %dma_start3A, %dma_start3A_22] : memref<32x110x128xi32, #tpu.memory_space<hbm>> -> memref<1x110x128xi32, #tpu.memory_space<hbm>>
      %dma_start3A_24 = tpu.memref_squeeze %dma_start3A_23 : memref<1x110x128xi32, #tpu.memory_space<hbm>> -> memref<110x128xi32, #tpu.memory_space<hbm>>
      %dma_start3A_25 = arith.constant 0 : i32
      %dma_start3A_26 = arith.constant 0 : i32
      %dma_start3A_27 = tpu.memref_slice %arg3[%add3A, %dma_start3A_25, %dma_start3A_26] : memref<32x110x128xi32, #tpu.memory_space<hbm>> -> memref<1x110x128xi32, #tpu.memory_space<hbm>>
      %dma_start3A_28 = tpu.memref_squeeze %dma_start3A_27 : memref<1x110x128xi32, #tpu.memory_space<hbm>> -> memref<110x128xi32, #tpu.memory_space<hbm>>
      tpu.enqueue_dma source(%dma_start3A_28 : memref<110x128xi32, #tpu.memory_space<hbm>>) target(%arg7 : memref<110x128xi32, #tpu.memory_space<vmem>>) target_semaphore(%run_scoped3A : memref<!tpu.dma_semaphore, #tpu.memory_space<semaphore_mem>>)
      %dma_wait3A = arith.constant 0 : i32
      %dma_wait3A_29 = arith.constant 0 : i32
      %dma_wait3A_30 = tpu.memref_slice %arg3[%add3A, %dma_wait3A, %dma_wait3A_29] : memref<32x110x128xi32, #tpu.memory_space<hbm>> -> memref<1x110x128xi32, #tpu.memory_space<hbm>>
      %dma_wait3A_31 = tpu.memref_squeeze %dma_wait3A_30 : memref<1x110x128xi32, #tpu.memory_space<hbm>> -> memref<110x128xi32, #tpu.memory_space<hbm>>
      %dma_wait3A_32 = arith.constant 0 : i32
      %dma_wait3A_33 = arith.constant 0 : i32
      %dma_wait3A_34 = tpu.memref_slice %arg3[%add3A, %dma_wait3A_32, %dma_wait3A_33] : memref<32x110x128xi32, #tpu.memory_space<hbm>> -> memref<1x110x128xi32, #tpu.memory_space<hbm>>
      %dma_wait3A_35 = tpu.memref_squeeze %dma_wait3A_34 : memref<1x110x128xi32, #tpu.memory_space<hbm>> -> memref<110x128xi32, #tpu.memory_space<hbm>>
      tpu.wait_dma2 semaphore(%run_scoped3A : memref<!tpu.dma_semaphore, #tpu.memory_space<semaphore_mem>>) src(%dma_wait3A_35 : memref<110x128xi32, #tpu.memory_space<hbm>>) dst(%arg7 : memref<110x128xi32, #tpu.memory_space<vmem>>)
      tpu.yield
    }) : () -> ()
    "tpu.region"() ({
      %run_scoped3A = tpu.sem_alloc : memref<!tpu.dma_semaphore, #tpu.memory_space<semaphore_mem>>
      %dma_start3A = arith.constant 0 : i32
      %dma_start3A_22 = arith.constant 0 : i32
      %dma_start3A_23 = tpu.memref_slice %arg4[%add3A, %dma_start3A, %dma_start3A_22] : memref<32x110x128xi32, #tpu.memory_space<hbm>> -> memref<1x110x128xi32, #tpu.memory_space<hbm>>
      %dma_start3A_24 = tpu.memref_squeeze %dma_start3A_23 : memref<1x110x128xi32, #tpu.memory_space<hbm>> -> memref<110x128xi32, #tpu.memory_space<hbm>>
      %dma_start3A_25 = arith.constant 0 : i32
      %dma_start3A_26 = arith.constant 0 : i32
      %dma_start3A_27 = tpu.memref_slice %arg4[%add3A, %dma_start3A_25, %dma_start3A_26] : memref<32x110x128xi32, #tpu.memory_space<hbm>> -> memref<1x110x128xi32, #tpu.memory_space<hbm>>
      %dma_start3A_28 = tpu.memref_squeeze %dma_start3A_27 : memref<1x110x128xi32, #tpu.memory_space<hbm>> -> memref<110x128xi32, #tpu.memory_space<hbm>>
      tpu.enqueue_dma source(%dma_start3A_28 : memref<110x128xi32, #tpu.memory_space<hbm>>) target(%arg8 : memref<110x128xi32, #tpu.memory_space<vmem>>) target_semaphore(%run_scoped3A : memref<!tpu.dma_semaphore, #tpu.memory_space<semaphore_mem>>)
      %dma_wait3A = arith.constant 0 : i32
      %dma_wait3A_29 = arith.constant 0 : i32
      %dma_wait3A_30 = tpu.memref_slice %arg4[%add3A, %dma_wait3A, %dma_wait3A_29] : memref<32x110x128xi32, #tpu.memory_space<hbm>> -> memref<1x110x128xi32, #tpu.memory_space<hbm>>
      %dma_wait3A_31 = tpu.memref_squeeze %dma_wait3A_30 : memref<1x110x128xi32, #tpu.memory_space<hbm>> -> memref<110x128xi32, #tpu.memory_space<hbm>>
      %dma_wait3A_32 = arith.constant 0 : i32
      %dma_wait3A_33 = arith.constant 0 : i32
      %dma_wait3A_34 = tpu.memref_slice %arg4[%add3A, %dma_wait3A_32, %dma_wait3A_33] : memref<32x110x128xi32, #tpu.memory_space<hbm>> -> memref<1x110x128xi32, #tpu.memory_space<hbm>>
      %dma_wait3A_35 = tpu.memref_squeeze %dma_wait3A_34 : memref<1x110x128xi32, #tpu.memory_space<hbm>> -> memref<110x128xi32, #tpu.memory_space<hbm>>
      tpu.wait_dma2 semaphore(%run_scoped3A : memref<!tpu.dma_semaphore, #tpu.memory_space<semaphore_mem>>) src(%dma_wait3A_35 : memref<110x128xi32, #tpu.memory_space<hbm>>) dst(%arg8 : memref<110x128xi32, #tpu.memory_space<vmem>>)
      tpu.yield
    }) : () -> ()
    %mul3A_4 = arith.constant 640 : i32
    %mul3A_5 = arith.muli %arg1, %mul3A_4 : i32
    "tpu.region"() ({
      %run_scoped3A = tpu.sem_alloc : memref<!tpu.dma_semaphore, #tpu.memory_space<semaphore_mem>>
      %dma_start3A = arith.constant 0 : i32
      %dma_start3A_22 = tpu.memref_slice %arg10[%mul3A_5, %dma_start3A] : memref<10240x128xf32, #tpu.memory_space<vmem_shared>> -> memref<640x128xf32, #tpu.memory_space<vmem_shared>>
      tpu.enqueue_dma source(%arg5 : memref<640x128xf32, #tpu.memory_space<hbm>>) target(%dma_start3A_22 : memref<640x128xf32, #tpu.memory_space<vmem_shared>>) target_semaphore(%run_scoped3A : memref<!tpu.dma_semaphore, #tpu.memory_space<semaphore_mem>>)
      %dma_wait3A = arith.constant 0 : i32
      %dma_wait3A_23 = tpu.memref_slice %arg10[%mul3A_5, %dma_wait3A] : memref<10240x128xf32, #tpu.memory_space<vmem_shared>> -> memref<640x128xf32, #tpu.memory_space<vmem_shared>>
      tpu.wait_dma2 semaphore(%run_scoped3A : memref<!tpu.dma_semaphore, #tpu.memory_space<semaphore_mem>>) src(%arg5 : memref<640x128xf32, #tpu.memory_space<hbm>>) dst(%dma_wait3A_23 : memref<640x128xf32, #tpu.memory_space<vmem_shared>>)
      tpu.yield
    }) : () -> ()
    %barrier3A = arith.constant 0 : index
    tpu.barrier barrier_id(%barrier3A)
    %while3A = arith.constant 0 : i32
    %while3A_6 = arith.constant 0 : i32
    %while3A_7 = arith.subi %select_n3A_3, %while3A : i32
    %while3A_8 = arith.addi %while3A, %while3A_7 : i32
    %while3A_9 = arith.constant 1 : i32
    %while3A_10 = arith.divsi %while3A_7, %while3A_9 : i32
    %while3A_11 = arith.muli %while3A_10, %while3A_9 : i32
    %while3A_12 = arith.addi %while3A, %while3A_11 : i32
    %while3A_13 = arith.constant 1 : i32
    %while3A_14 = scf.for %while3A_22 = %while3A to %while3A_12 step %while3A_13 iter_args(%while3A_23 = %while3A_6) -> (i32)  : i32 {
      %dma_start3A = arith.constant 0 : i32
      %dma_start3A_24 = tpu.memref_slice %arg7[%while3A_22, %dma_start3A] : memref<110x128xi32, #tpu.memory_space<vmem>> -> memref<1x128xi32, #tpu.memory_space<vmem>>
      %dma_start3A_25 = tpu.memref_squeeze %dma_start3A_24 : memref<1x128xi32, #tpu.memory_space<vmem>> -> memref<128xi32, #tpu.memory_space<vmem>>
      %dma_start3A_26 = arith.constant 0 : i32
      %dma_start3A_27 = arith.constant 0 : i32
      %dma_start3A_28 = tpu.memref_slice %arg2[%dma_start3A_26, %dma_start3A_27] : memref<10240x128xf32, #tpu.memory_space<hbm>> -> memref<10240x128xf32, #tpu.memory_space<hbm>>
      tpu.enqueue_indirect_dma source(%dma_start3A_28 : memref<10240x128xf32, #tpu.memory_space<hbm>>) target(%arg9 : memref<128x128xf32, #tpu.memory_space<vmem>>) offsets(%dma_start3A_25 : memref<128xi32, #tpu.memory_space<vmem>>) semaphore(%arg11 : memref<!tpu.dma_semaphore, #tpu.memory_space<semaphore_mem>>)
      %dma_wait3A = arith.constant 0 : i32
      %dma_wait3A_29 = tpu.memref_slice %arg7[%while3A_22, %dma_wait3A] : memref<110x128xi32, #tpu.memory_space<vmem>> -> memref<1x128xi32, #tpu.memory_space<vmem>>
      %dma_wait3A_30 = tpu.memref_squeeze %dma_wait3A_29 : memref<1x128xi32, #tpu.memory_space<vmem>> -> memref<128xi32, #tpu.memory_space<vmem>>
      %dma_wait3A_31 = arith.constant 0 : i32
      %dma_wait3A_32 = arith.constant 0 : i32
      %dma_wait3A_33 = tpu.memref_slice %arg2[%dma_wait3A_31, %dma_wait3A_32] : memref<10240x128xf32, #tpu.memory_space<hbm>> -> memref<10240x128xf32, #tpu.memory_space<hbm>>
      tpu.wait_indirect_dma semaphore(%arg11 : memref<!tpu.dma_semaphore, #tpu.memory_space<semaphore_mem>>) src(%dma_wait3A_33 : memref<10240x128xf32, #tpu.memory_space<hbm>>) dst(%arg9 : memref<128x128xf32, #tpu.memory_space<vmem>>)
      "tpu.region"() ({
        %run_scoped3A = tpu.sem_alloc : memref<!tpu.dma_semaphore, #tpu.memory_space<semaphore_mem>>
        %dma_start3A_35 = arith.constant 0 : i32
        %dma_start3A_36 = tpu.memref_slice %arg8[%while3A_22, %dma_start3A_35] : memref<110x128xi32, #tpu.memory_space<vmem>> -> memref<1x128xi32, #tpu.memory_space<vmem>>
        %dma_start3A_37 = tpu.memref_squeeze %dma_start3A_36 : memref<1x128xi32, #tpu.memory_space<vmem>> -> memref<128xi32, #tpu.memory_space<vmem>>
        %dma_start3A_38 = arith.constant 0 : i32
        %dma_start3A_39 = arith.constant 0 : i32
        %dma_start3A_40 = tpu.memref_slice %arg10[%dma_start3A_38, %dma_start3A_39] : memref<10240x128xf32, #tpu.memory_space<vmem_shared>> -> memref<10240x128xf32, #tpu.memory_space<vmem_shared>>
        tpu.enqueue_indirect_dma source(%arg9 : memref<128x128xf32, #tpu.memory_space<vmem>>) target(%dma_start3A_40 : memref<10240x128xf32, #tpu.memory_space<vmem_shared>>) offsets(%dma_start3A_37 : memref<128xi32, #tpu.memory_space<vmem>>) semaphore(%run_scoped3A : memref<!tpu.dma_semaphore, #tpu.memory_space<semaphore_mem>>) {add = true}
        %dma_wait3A_41 = arith.constant 0 : i32
        %dma_wait3A_42 = tpu.memref_slice %arg8[%while3A_22, %dma_wait3A_41] : memref<110x128xi32, #tpu.memory_space<vmem>> -> memref<1x128xi32, #tpu.memory_space<vmem>>
        %dma_wait3A_43 = tpu.memref_squeeze %dma_wait3A_42 : memref<1x128xi32, #tpu.memory_space<vmem>> -> memref<128xi32, #tpu.memory_space<vmem>>
        %dma_wait3A_44 = arith.constant 0 : i32
        %dma_wait3A_45 = arith.constant 0 : i32
        %dma_wait3A_46 = tpu.memref_slice %arg10[%dma_wait3A_44, %dma_wait3A_45] : memref<10240x128xf32, #tpu.memory_space<vmem_shared>> -> memref<10240x128xf32, #tpu.memory_space<vmem_shared>>
        tpu.wait_indirect_dma semaphore(%run_scoped3A : memref<!tpu.dma_semaphore, #tpu.memory_space<semaphore_mem>>) src(%arg9 : memref<128x128xf32, #tpu.memory_space<vmem>>) dst(%dma_wait3A_46 : memref<10240x128xf32, #tpu.memory_space<vmem_shared>>)
        tpu.yield
      }) : () -> ()
      %while3A_34 = arith.constant 0 : i32
      scf.yield %while3A_34 : i32
    }
    %while3A_15 = arith.constant 1 : i32
    %while3A_16 = scf.for %while3A_22 = %while3A_12 to %while3A_8 step %while3A_15 iter_args(%while3A_23 = %while3A_14) -> (i32)  : i32 {
      %dma_start3A = arith.constant 0 : i32
      %dma_start3A_24 = tpu.memref_slice %arg7[%while3A_22, %dma_start3A] : memref<110x128xi32, #tpu.memory_space<vmem>> -> memref<1x128xi32, #tpu.memory_space<vmem>>
      %dma_start3A_25 = tpu.memref_squeeze %dma_start3A_24 : memref<1x128xi32, #tpu.memory_space<vmem>> -> memref<128xi32, #tpu.memory_space<vmem>>
      %dma_start3A_26 = arith.constant 0 : i32
      %dma_start3A_27 = arith.constant 0 : i32
      %dma_start3A_28 = tpu.memref_slice %arg2[%dma_start3A_26, %dma_start3A_27] : memref<10240x128xf32, #tpu.memory_space<hbm>> -> memref<10240x128xf32, #tpu.memory_space<hbm>>
      tpu.enqueue_indirect_dma source(%dma_start3A_28 : memref<10240x128xf32, #tpu.memory_space<hbm>>) target(%arg9 : memref<128x128xf32, #tpu.memory_space<vmem>>) offsets(%dma_start3A_25 : memref<128xi32, #tpu.memory_space<vmem>>) semaphore(%arg11 : memref<!tpu.dma_semaphore, #tpu.memory_space<semaphore_mem>>)
      %dma_wait3A = arith.constant 0 : i32
      %dma_wait3A_29 = tpu.memref_slice %arg7[%while3A_22, %dma_wait3A] : memref<110x128xi32, #tpu.memory_space<vmem>> -> memref<1x128xi32, #tpu.memory_space<vmem>>
      %dma_wait3A_30 = tpu.memref_squeeze %dma_wait3A_29 : memref<1x128xi32, #tpu.memory_space<vmem>> -> memref<128xi32, #tpu.memory_space<vmem>>
      %dma_wait3A_31 = arith.constant 0 : i32
      %dma_wait3A_32 = arith.constant 0 : i32
      %dma_wait3A_33 = tpu.memref_slice %arg2[%dma_wait3A_31, %dma_wait3A_32] : memref<10240x128xf32, #tpu.memory_space<hbm>> -> memref<10240x128xf32, #tpu.memory_space<hbm>>
      tpu.wait_indirect_dma semaphore(%arg11 : memref<!tpu.dma_semaphore, #tpu.memory_space<semaphore_mem>>) src(%dma_wait3A_33 : memref<10240x128xf32, #tpu.memory_space<hbm>>) dst(%arg9 : memref<128x128xf32, #tpu.memory_space<vmem>>)
      "tpu.region"() ({
        %run_scoped3A = tpu.sem_alloc : memref<!tpu.dma_semaphore, #tpu.memory_space<semaphore_mem>>
        %dma_start3A_35 = arith.constant 0 : i32
        %dma_start3A_36 = tpu.memref_slice %arg8[%while3A_22, %dma_start3A_35] : memref<110x128xi32, #tpu.memory_space<vmem>> -> memref<1x128xi32, #tpu.memory_space<vmem>>
        %dma_start3A_37 = tpu.memref_squeeze %dma_start3A_36 : memref<1x128xi32, #tpu.memory_space<vmem>> -> memref<128xi32, #tpu.memory_space<vmem>>
        %dma_start3A_38 = arith.constant 0 : i32
        %dma_start3A_39 = arith.constant 0 : i32
        %dma_start3A_40 = tpu.memref_slice %arg10[%dma_start3A_38, %dma_start3A_39] : memref<10240x128xf32, #tpu.memory_space<vmem_shared>> -> memref<10240x128xf32, #tpu.memory_space<vmem_shared>>
        tpu.enqueue_indirect_dma source(%arg9 : memref<128x128xf32, #tpu.memory_space<vmem>>) target(%dma_start3A_40 : memref<10240x128xf32, #tpu.memory_space<vmem_shared>>) offsets(%dma_start3A_37 : memref<128xi32, #tpu.memory_space<vmem>>) semaphore(%run_scoped3A : memref<!tpu.dma_semaphore, #tpu.memory_space<semaphore_mem>>) {add = true}
        %dma_wait3A_41 = arith.constant 0 : i32
        %dma_wait3A_42 = tpu.memref_slice %arg8[%while3A_22, %dma_wait3A_41] : memref<110x128xi32, #tpu.memory_space<vmem>> -> memref<1x128xi32, #tpu.memory_space<vmem>>
        %dma_wait3A_43 = tpu.memref_squeeze %dma_wait3A_42 : memref<1x128xi32, #tpu.memory_space<vmem>> -> memref<128xi32, #tpu.memory_space<vmem>>
        %dma_wait3A_44 = arith.constant 0 : i32
        %dma_wait3A_45 = arith.constant 0 : i32
        %dma_wait3A_46 = tpu.memref_slice %arg10[%dma_wait3A_44, %dma_wait3A_45] : memref<10240x128xf32, #tpu.memory_space<vmem_shared>> -> memref<10240x128xf32, #tpu.memory_space<vmem_shared>>
        tpu.wait_indirect_dma semaphore(%run_scoped3A : memref<!tpu.dma_semaphore, #tpu.memory_space<semaphore_mem>>) src(%arg9 : memref<128x128xf32, #tpu.memory_space<vmem>>) dst(%dma_wait3A_46 : memref<10240x128xf32, #tpu.memory_space<vmem_shared>>)
        tpu.yield
      }) : () -> ()
      %while3A_34 = arith.constant 0 : i32
      scf.yield %while3A_34 : i32
    }
    %barrier3A_17 = arith.constant 0 : index
    tpu.barrier barrier_id(%barrier3A_17)
    %mul3A_18 = arith.constant 640 : i32
    %mul3A_19 = arith.muli %arg1, %mul3A_18 : i32
    %mul3A_20 = arith.constant 640 : i32
    %mul3A_21 = arith.muli %arg1, %mul3A_20 : i32
    "tpu.region"() ({
      %run_scoped3A = tpu.sem_alloc : memref<!tpu.dma_semaphore, #tpu.memory_space<semaphore_mem>>
      %dma_start3A = arith.constant 0 : i32
      %dma_start3A_22 = tpu.memref_slice %arg6[%arg0, %mul3A_21, %dma_start3A] : memref<2x10240x128xf32, #tpu.memory_space<hbm>> -> memref<1x640x128xf32, #tpu.memory_space<hbm>>
      %dma_start3A_23 = tpu.memref_squeeze %dma_start3A_22 : memref<1x640x128xf32, #tpu.memory_space<hbm>> -> memref<640x128xf32, #tpu.memory_space<hbm>>
      %dma_start3A_24 = arith.constant 0 : i32
      %dma_start3A_25 = tpu.memref_slice %arg10[%mul3A_19, %dma_start3A_24] : memref<10240x128xf32, #tpu.memory_space<vmem_shared>> -> memref<640x128xf32, #tpu.memory_space<vmem_shared>>
      tpu.enqueue_dma source(%dma_start3A_25 : memref<640x128xf32, #tpu.memory_space<vmem_shared>>) target(%dma_start3A_23 : memref<640x128xf32, #tpu.memory_space<hbm>>) target_semaphore(%run_scoped3A : memref<!tpu.dma_semaphore, #tpu.memory_space<semaphore_mem>>)
      %dma_wait3A = arith.constant 0 : i32
      %dma_wait3A_26 = tpu.memref_slice %arg6[%arg0, %mul3A_21, %dma_wait3A] : memref<2x10240x128xf32, #tpu.memory_space<hbm>> -> memref<1x640x128xf32, #tpu.memory_space<hbm>>
      %dma_wait3A_27 = tpu.memref_squeeze %dma_wait3A_26 : memref<1x640x128xf32, #tpu.memory_space<hbm>> -> memref<640x128xf32, #tpu.memory_space<hbm>>
      %dma_wait3A_28 = arith.constant 0 : i32
      %dma_wait3A_29 = tpu.memref_slice %arg10[%mul3A_19, %dma_wait3A_28] : memref<10240x128xf32, #tpu.memory_space<vmem_shared>> -> memref<640x128xf32, #tpu.memory_space<vmem_shared>>
      tpu.wait_dma2 semaphore(%run_scoped3A : memref<!tpu.dma_semaphore, #tpu.memory_space<semaphore_mem>>) src(%dma_wait3A_29 : memref<640x128xf32, #tpu.memory_space<vmem_shared>>) dst(%dma_wait3A_27 : memref<640x128xf32, #tpu.memory_space<hbm>>)
      tpu.yield
    }) : () -> ()
    return
  }
}

#map = affine_map<(d0, d1) -> (0, 0)>
#map1 = affine_map<(d0, d1) -> (0, 0, 0)>
module attributes {stable_mosaic.version = 14 : i64} {
  func.func @spmm_kernel(%arg0: i32, %arg1: i32, %arg2: memref<10240x128xf32, #tpu.memory_space<hbm>>, %arg3: memref<32x110x128xi32, #tpu.memory_space<hbm>>, %arg4: memref<32x110x128xi32, #tpu.memory_space<hbm>>, %arg5: memref<640x128xf32, #tpu.memory_space<hbm>>, %arg6: memref<2x10240x128xf32, #tpu.memory_space<hbm>>, %arg7: memref<110x128xi32, #tpu.memory_space<vmem>>, %arg8: memref<110x128xi32, #tpu.memory_space<vmem>>, %arg9: memref<128x128xf32, #tpu.memory_space<vmem>>, %arg10: memref<10240x128xf32, #tpu.memory_space<vmem_shared>>, %arg11: memref<!tpu.dma_semaphore, #tpu.memory_space<semaphore_mem>>) attributes {dimension_semantics = [#tpu.dimension_semantics<core_parallel>, #tpu.dimension_semantics<subcore_parallel>], iteration_bounds = array<i64: 2, 16>, scalar_prefetch = 0 : i64, scratch_operands = 5 : i64, tpu.core_type = #tpu.core_type<sc_vector_subcore>, window_params = [{transform_indices = #map}, {transform_indices = #map1}, {transform_indices = #map1}, {transform_indices = #map}, {transform_indices = #map1}]} {
    %mul3A = arith.constant 16 : i32
    %mul3A_0 = arith.muli %arg0, %mul3A : i32
    %add3A = arith.addi %mul3A_0, %arg1 : i32
    %eq3A = arith.constant 0 : i32
    %eq3A_1 = arith.cmpi eq, %arg0, %eq3A : i32
    %select_n3A = arith.constant 48 : i32
    %select_n3A_2 = arith.constant 110 : i32
    %select_n3A_3 = arith.select %eq3A_1, %select_n3A_2, %select_n3A : i32
    "tpu.region"() ({
      %run_scoped3A = tpu.sem_alloc : memref<!tpu.dma_semaphore, #tpu.memory_space<semaphore_mem>>
      %dma_start3A = arith.constant 0 : i32
      %dma_start3A_22 = arith.constant 0 : i32
      %dma_start3A_23 = tpu.memref_slice %arg3[%add3A, %dma_start3A, %dma_start3A_22] : memref<32x110x128xi32, #tpu.memory_space<hbm>> -> memref<1x110x128xi32, #tpu.memory_space<hbm>>
      %dma_start3A_24 = tpu.memref_squeeze %dma_start3A_23 : memref<1x110x128xi32, #tpu.memory_space<hbm>> -> memref<110x128xi32, #tpu.memory_space<hbm>>
      %dma_start3A_25 = arith.constant 0 : i32
      %dma_start3A_26 = arith.constant 0 : i32
      %dma_start3A_27 = tpu.memref_slice %arg3[%add3A, %dma_start3A_25, %dma_start3A_26] : memref<32x110x128xi32, #tpu.memory_space<hbm>> -> memref<1x110x128xi32, #tpu.memory_space<hbm>>
      %dma_start3A_28 = tpu.memref_squeeze %dma_start3A_27 : memref<1x110x128xi32, #tpu.memory_space<hbm>> -> memref<110x128xi32, #tpu.memory_space<hbm>>
      tpu.enqueue_dma source(%dma_start3A_28 : memref<110x128xi32, #tpu.memory_space<hbm>>) target(%arg7 : memref<110x128xi32, #tpu.memory_space<vmem>>) target_semaphore(%run_scoped3A : memref<!tpu.dma_semaphore, #tpu.memory_space<semaphore_mem>>)
      %dma_wait3A = arith.constant 0 : i32
      %dma_wait3A_29 = arith.constant 0 : i32
      %dma_wait3A_30 = tpu.memref_slice %arg3[%add3A, %dma_wait3A, %dma_wait3A_29] : memref<32x110x128xi32, #tpu.memory_space<hbm>> -> memref<1x110x128xi32, #tpu.memory_space<hbm>>
      %dma_wait3A_31 = tpu.memref_squeeze %dma_wait3A_30 : memref<1x110x128xi32, #tpu.memory_space<hbm>> -> memref<110x128xi32, #tpu.memory_space<hbm>>
      %dma_wait3A_32 = arith.constant 0 : i32
      %dma_wait3A_33 = arith.constant 0 : i32
      %dma_wait3A_34 = tpu.memref_slice %arg3[%add3A, %dma_wait3A_32, %dma_wait3A_33] : memref<32x110x128xi32, #tpu.memory_space<hbm>> -> memref<1x110x128xi32, #tpu.memory_space<hbm>>
      %dma_wait3A_35 = tpu.memref_squeeze %dma_wait3A_34 : memref<1x110x128xi32, #tpu.memory_space<hbm>> -> memref<110x128xi32, #tpu.memory_space<hbm>>
      tpu.wait_dma2 semaphore(%run_scoped3A : memref<!tpu.dma_semaphore, #tpu.memory_space<semaphore_mem>>) src(%dma_wait3A_35 : memref<110x128xi32, #tpu.memory_space<hbm>>) dst(%arg7 : memref<110x128xi32, #tpu.memory_space<vmem>>)
      tpu.yield
    }) : () -> ()
    "tpu.region"() ({
      %run_scoped3A = tpu.sem_alloc : memref<!tpu.dma_semaphore, #tpu.memory_space<semaphore_mem>>
      %dma_start3A = arith.constant 0 : i32
      %dma_start3A_22 = arith.constant 0 : i32
      %dma_start3A_23 = tpu.memref_slice %arg4[%add3A, %dma_start3A, %dma_start3A_22] : memref<32x110x128xi32, #tpu.memory_space<hbm>> -> memref<1x110x128xi32, #tpu.memory_space<hbm>>
      %dma_start3A_24 = tpu.memref_squeeze %dma_start3A_23 : memref<1x110x128xi32, #tpu.memory_space<hbm>> -> memref<110x128xi32, #tpu.memory_space<hbm>>
      %dma_start3A_25 = arith.constant 0 : i32
      %dma_start3A_26 = arith.constant 0 : i32
      %dma_start3A_27 = tpu.memref_slice %arg4[%add3A, %dma_start3A_25, %dma_start3A_26] : memref<32x110x128xi32, #tpu.memory_space<hbm>> -> memref<1x110x128xi32, #tpu.memory_space<hbm>>
      %dma_start3A_28 = tpu.memref_squeeze %dma_start3A_27 : memref<1x110x128xi32, #tpu.memory_space<hbm>> -> memref<110x128xi32, #tpu.memory_space<hbm>>
      tpu.enqueue_dma source(%dma_start3A_28 : memref<110x128xi32, #tpu.memory_space<hbm>>) target(%arg8 : memref<110x128xi32, #tpu.memory_space<vmem>>) target_semaphore(%run_scoped3A : memref<!tpu.dma_semaphore, #tpu.memory_space<semaphore_mem>>)
      %dma_wait3A = arith.constant 0 : i32
      %dma_wait3A_29 = arith.constant 0 : i32
      %dma_wait3A_30 = tpu.memref_slice %arg4[%add3A, %dma_wait3A, %dma_wait3A_29] : memref<32x110x128xi32, #tpu.memory_space<hbm>> -> memref<1x110x128xi32, #tpu.memory_space<hbm>>
      %dma_wait3A_31 = tpu.memref_squeeze %dma_wait3A_30 : memref<1x110x128xi32, #tpu.memory_space<hbm>> -> memref<110x128xi32, #tpu.memory_space<hbm>>
      %dma_wait3A_32 = arith.constant 0 : i32
      %dma_wait3A_33 = arith.constant 0 : i32
      %dma_wait3A_34 = tpu.memref_slice %arg4[%add3A, %dma_wait3A_32, %dma_wait3A_33] : memref<32x110x128xi32, #tpu.memory_space<hbm>> -> memref<1x110x128xi32, #tpu.memory_space<hbm>>
      %dma_wait3A_35 = tpu.memref_squeeze %dma_wait3A_34 : memref<1x110x128xi32, #tpu.memory_space<hbm>> -> memref<110x128xi32, #tpu.memory_space<hbm>>
      tpu.wait_dma2 semaphore(%run_scoped3A : memref<!tpu.dma_semaphore, #tpu.memory_space<semaphore_mem>>) src(%dma_wait3A_35 : memref<110x128xi32, #tpu.memory_space<hbm>>) dst(%arg8 : memref<110x128xi32, #tpu.memory_space<vmem>>)
      tpu.yield
    }) : () -> ()
    %mul3A_4 = arith.constant 640 : i32
    %mul3A_5 = arith.muli %arg1, %mul3A_4 : i32
    "tpu.region"() ({
      %run_scoped3A = tpu.sem_alloc : memref<!tpu.dma_semaphore, #tpu.memory_space<semaphore_mem>>
      %dma_start3A = arith.constant 0 : i32
      %dma_start3A_22 = tpu.memref_slice %arg10[%mul3A_5, %dma_start3A] : memref<10240x128xf32, #tpu.memory_space<vmem_shared>> -> memref<640x128xf32, #tpu.memory_space<vmem_shared>>
      tpu.enqueue_dma source(%arg5 : memref<640x128xf32, #tpu.memory_space<hbm>>) target(%dma_start3A_22 : memref<640x128xf32, #tpu.memory_space<vmem_shared>>) target_semaphore(%run_scoped3A : memref<!tpu.dma_semaphore, #tpu.memory_space<semaphore_mem>>)
      %dma_wait3A = arith.constant 0 : i32
      %dma_wait3A_23 = tpu.memref_slice %arg10[%mul3A_5, %dma_wait3A] : memref<10240x128xf32, #tpu.memory_space<vmem_shared>> -> memref<640x128xf32, #tpu.memory_space<vmem_shared>>
      tpu.wait_dma2 semaphore(%run_scoped3A : memref<!tpu.dma_semaphore, #tpu.memory_space<semaphore_mem>>) src(%arg5 : memref<640x128xf32, #tpu.memory_space<hbm>>) dst(%dma_wait3A_23 : memref<640x128xf32, #tpu.memory_space<vmem_shared>>)
      tpu.yield
    }) : () -> ()
    %barrier3A = arith.constant 0 : index
    tpu.barrier barrier_id(%barrier3A)
    %while3A = arith.constant 0 : i32
    %while3A_6 = arith.constant 0 : i32
    %while3A_7 = arith.subi %select_n3A_3, %while3A : i32
    %while3A_8 = arith.addi %while3A, %while3A_7 : i32
    %while3A_9 = arith.constant 1 : i32
    %while3A_10 = arith.divsi %while3A_7, %while3A_9 : i32
    %while3A_11 = arith.muli %while3A_10, %while3A_9 : i32
    %while3A_12 = arith.addi %while3A, %while3A_11 : i32
    %while3A_13 = arith.constant 1 : i32
    %while3A_14 = scf.for %while3A_22 = %while3A to %while3A_12 step %while3A_13 iter_args(%while3A_23 = %while3A_6) -> (i32)  : i32 {
      %dma_start3A = arith.constant 0 : i32
      %dma_start3A_24 = tpu.memref_slice %arg7[%while3A_22, %dma_start3A] : memref<110x128xi32, #tpu.memory_space<vmem>> -> memref<1x128xi32, #tpu.memory_space<vmem>>
      %dma_start3A_25 = tpu.memref_squeeze %dma_start3A_24 : memref<1x128xi32, #tpu.memory_space<vmem>> -> memref<128xi32, #tpu.memory_space<vmem>>
      %dma_start3A_26 = arith.constant 0 : i32
      %dma_start3A_27 = arith.constant 0 : i32
      %dma_start3A_28 = tpu.memref_slice %arg2[%dma_start3A_26, %dma_start3A_27] : memref<10240x128xf32, #tpu.memory_space<hbm>> -> memref<10240x128xf32, #tpu.memory_space<hbm>>
      tpu.enqueue_indirect_dma source(%dma_start3A_28 : memref<10240x128xf32, #tpu.memory_space<hbm>>) target(%arg9 : memref<128x128xf32, #tpu.memory_space<vmem>>) offsets(%dma_start3A_25 : memref<128xi32, #tpu.memory_space<vmem>>) semaphore(%arg11 : memref<!tpu.dma_semaphore, #tpu.memory_space<semaphore_mem>>)
      %dma_wait3A = arith.constant 0 : i32
      %dma_wait3A_29 = tpu.memref_slice %arg7[%while3A_22, %dma_wait3A] : memref<110x128xi32, #tpu.memory_space<vmem>> -> memref<1x128xi32, #tpu.memory_space<vmem>>
      %dma_wait3A_30 = tpu.memref_squeeze %dma_wait3A_29 : memref<1x128xi32, #tpu.memory_space<vmem>> -> memref<128xi32, #tpu.memory_space<vmem>>
      %dma_wait3A_31 = arith.constant 0 : i32
      %dma_wait3A_32 = arith.constant 0 : i32
      %dma_wait3A_33 = tpu.memref_slice %arg2[%dma_wait3A_31, %dma_wait3A_32] : memref<10240x128xf32, #tpu.memory_space<hbm>> -> memref<10240x128xf32, #tpu.memory_space<hbm>>
      tpu.wait_indirect_dma semaphore(%arg11 : memref<!tpu.dma_semaphore, #tpu.memory_space<semaphore_mem>>) src(%dma_wait3A_33 : memref<10240x128xf32, #tpu.memory_space<hbm>>) dst(%arg9 : memref<128x128xf32, #tpu.memory_space<vmem>>)
      "tpu.region"() ({
        %run_scoped3A = tpu.sem_alloc : memref<!tpu.dma_semaphore, #tpu.memory_space<semaphore_mem>>
        %dma_start3A_35 = arith.constant 0 : i32
        %dma_start3A_36 = tpu.memref_slice %arg8[%while3A_22, %dma_start3A_35] : memref<110x128xi32, #tpu.memory_space<vmem>> -> memref<1x128xi32, #tpu.memory_space<vmem>>
        %dma_start3A_37 = tpu.memref_squeeze %dma_start3A_36 : memref<1x128xi32, #tpu.memory_space<vmem>> -> memref<128xi32, #tpu.memory_space<vmem>>
        %dma_start3A_38 = arith.constant 0 : i32
        %dma_start3A_39 = arith.constant 0 : i32
        %dma_start3A_40 = tpu.memref_slice %arg10[%dma_start3A_38, %dma_start3A_39] : memref<10240x128xf32, #tpu.memory_space<vmem_shared>> -> memref<10240x128xf32, #tpu.memory_space<vmem_shared>>
        tpu.enqueue_indirect_dma source(%arg9 : memref<128x128xf32, #tpu.memory_space<vmem>>) target(%dma_start3A_40 : memref<10240x128xf32, #tpu.memory_space<vmem_shared>>) offsets(%dma_start3A_37 : memref<128xi32, #tpu.memory_space<vmem>>) semaphore(%run_scoped3A : memref<!tpu.dma_semaphore, #tpu.memory_space<semaphore_mem>>) {add = true}
        %dma_wait3A_41 = arith.constant 0 : i32
        %dma_wait3A_42 = tpu.memref_slice %arg8[%while3A_22, %dma_wait3A_41] : memref<110x128xi32, #tpu.memory_space<vmem>> -> memref<1x128xi32, #tpu.memory_space<vmem>>
        %dma_wait3A_43 = tpu.memref_squeeze %dma_wait3A_42 : memref<1x128xi32, #tpu.memory_space<vmem>> -> memref<128xi32, #tpu.memory_space<vmem>>
        %dma_wait3A_44 = arith.constant 0 : i32
        %dma_wait3A_45 = arith.constant 0 : i32
        %dma_wait3A_46 = tpu.memref_slice %arg10[%dma_wait3A_44, %dma_wait3A_45] : memref<10240x128xf32, #tpu.memory_space<vmem_shared>> -> memref<10240x128xf32, #tpu.memory_space<vmem_shared>>
        tpu.wait_indirect_dma semaphore(%run_scoped3A : memref<!tpu.dma_semaphore, #tpu.memory_space<semaphore_mem>>) src(%arg9 : memref<128x128xf32, #tpu.memory_space<vmem>>) dst(%dma_wait3A_46 : memref<10240x128xf32, #tpu.memory_space<vmem_shared>>)
        tpu.yield
      }) : () -> ()
      %while3A_34 = arith.constant 0 : i32
      scf.yield %while3A_34 : i32
    }
    %while3A_15 = arith.constant 1 : i32
    %while3A_16 = scf.for %while3A_22 = %while3A_12 to %while3A_8 step %while3A_15 iter_args(%while3A_23 = %while3A_14) -> (i32)  : i32 {
      %dma_start3A = arith.constant 0 : i32
      %dma_start3A_24 = tpu.memref_slice %arg7[%while3A_22, %dma_start3A] : memref<110x128xi32, #tpu.memory_space<vmem>> -> memref<1x128xi32, #tpu.memory_space<vmem>>
      %dma_start3A_25 = tpu.memref_squeeze %dma_start3A_24 : memref<1x128xi32, #tpu.memory_space<vmem>> -> memref<128xi32, #tpu.memory_space<vmem>>
      %dma_start3A_26 = arith.constant 0 : i32
      %dma_start3A_27 = arith.constant 0 : i32
      %dma_start3A_28 = tpu.memref_slice %arg2[%dma_start3A_26, %dma_start3A_27] : memref<10240x128xf32, #tpu.memory_space<hbm>> -> memref<10240x128xf32, #tpu.memory_space<hbm>>
      tpu.enqueue_indirect_dma source(%dma_start3A_28 : memref<10240x128xf32, #tpu.memory_space<hbm>>) target(%arg9 : memref<128x128xf32, #tpu.memory_space<vmem>>) offsets(%dma_start3A_25 : memref<128xi32, #tpu.memory_space<vmem>>) semaphore(%arg11 : memref<!tpu.dma_semaphore, #tpu.memory_space<semaphore_mem>>)
      %dma_wait3A = arith.constant 0 : i32
      %dma_wait3A_29 = tpu.memref_slice %arg7[%while3A_22, %dma_wait3A] : memref<110x128xi32, #tpu.memory_space<vmem>> -> memref<1x128xi32, #tpu.memory_space<vmem>>
      %dma_wait3A_30 = tpu.memref_squeeze %dma_wait3A_29 : memref<1x128xi32, #tpu.memory_space<vmem>> -> memref<128xi32, #tpu.memory_space<vmem>>
      %dma_wait3A_31 = arith.constant 0 : i32
      %dma_wait3A_32 = arith.constant 0 : i32
      %dma_wait3A_33 = tpu.memref_slice %arg2[%dma_wait3A_31, %dma_wait3A_32] : memref<10240x128xf32, #tpu.memory_space<hbm>> -> memref<10240x128xf32, #tpu.memory_space<hbm>>
      tpu.wait_indirect_dma semaphore(%arg11 : memref<!tpu.dma_semaphore, #tpu.memory_space<semaphore_mem>>) src(%dma_wait3A_33 : memref<10240x128xf32, #tpu.memory_space<hbm>>) dst(%arg9 : memref<128x128xf32, #tpu.memory_space<vmem>>)
      "tpu.region"() ({
        %run_scoped3A = tpu.sem_alloc : memref<!tpu.dma_semaphore, #tpu.memory_space<semaphore_mem>>
        %dma_start3A_35 = arith.constant 0 : i32
        %dma_start3A_36 = tpu.memref_slice %arg8[%while3A_22, %dma_start3A_35] : memref<110x128xi32, #tpu.memory_space<vmem>> -> memref<1x128xi32, #tpu.memory_space<vmem>>
        %dma_start3A_37 = tpu.memref_squeeze %dma_start3A_36 : memref<1x128xi32, #tpu.memory_space<vmem>> -> memref<128xi32, #tpu.memory_space<vmem>>
        %dma_start3A_38 = arith.constant 0 : i32
        %dma_start3A_39 = arith.constant 0 : i32
        %dma_start3A_40 = tpu.memref_slice %arg10[%dma_start3A_38, %dma_start3A_39] : memref<10240x128xf32, #tpu.memory_space<vmem_shared>> -> memref<10240x128xf32, #tpu.memory_space<vmem_shared>>
        tpu.enqueue_indirect_dma source(%arg9 : memref<128x128xf32, #tpu.memory_space<vmem>>) target(%dma_start3A_40 : memref<10240x128xf32, #tpu.memory_space<vmem_shared>>) offsets(%dma_start3A_37 : memref<128xi32, #tpu.memory_space<vmem>>) semaphore(%run_scoped3A : memref<!tpu.dma_semaphore, #tpu.memory_space<semaphore_mem>>) {add = true}
        %dma_wait3A_41 = arith.constant 0 : i32
        %dma_wait3A_42 = tpu.memref_slice %arg8[%while3A_22, %dma_wait3A_41] : memref<110x128xi32, #tpu.memory_space<vmem>> -> memref<1x128xi32, #tpu.memory_space<vmem>>
        %dma_wait3A_43 = tpu.memref_squeeze %dma_wait3A_42 : memref<1x128xi32, #tpu.memory_space<vmem>> -> memref<128xi32, #tpu.memory_space<vmem>>
        %dma_wait3A_44 = arith.constant 0 : i32
        %dma_wait3A_45 = arith.constant 0 : i32
        %dma_wait3A_46 = tpu.memref_slice %arg10[%dma_wait3A_44, %dma_wait3A_45] : memref<10240x128xf32, #tpu.memory_space<vmem_shared>> -> memref<10240x128xf32, #tpu.memory_space<vmem_shared>>
        tpu.wait_indirect_dma semaphore(%run_scoped3A : memref<!tpu.dma_semaphore, #tpu.memory_space<semaphore_mem>>) src(%arg9 : memref<128x128xf32, #tpu.memory_space<vmem>>) dst(%dma_wait3A_46 : memref<10240x128xf32, #tpu.memory_space<vmem_shared>>)
        tpu.yield
      }) : () -> ()
      %while3A_34 = arith.constant 0 : i32
      scf.yield %while3A_34 : i32
    }
    %barrier3A_17 = arith.constant 0 : index
    tpu.barrier barrier_id(%barrier3A_17)
    %mul3A_18 = arith.constant 640 : i32
    %mul3A_19 = arith.muli %arg1, %mul3A_18 : i32
    %mul3A_20 = arith.constant 640 : i32
    %mul3A_21 = arith.muli %arg1, %mul3A_20 : i32
    "tpu.region"() ({
      %run_scoped3A = tpu.sem_alloc : memref<!tpu.dma_semaphore, #tpu.memory_space<semaphore_mem>>
      %dma_start3A = arith.constant 0 : i32
      %dma_start3A_22 = tpu.memref_slice %arg6[%arg0, %mul3A_21, %dma_start3A] : memref<2x10240x128xf32, #tpu.memory_space<hbm>> -> memref<1x640x128xf32, #tpu.memory_space<hbm>>
      %dma_start3A_23 = tpu.memref_squeeze %dma_start3A_22 : memref<1x640x128xf32, #tpu.memory_space<hbm>> -> memref<640x128xf32, #tpu.memory_space<hbm>>
      %dma_start3A_24 = arith.constant 0 : i32
      %dma_start3A_25 = tpu.memref_slice %arg10[%mul3A_19, %dma_start3A_24] : memref<10240x128xf32, #tpu.memory_space<vmem_shared>> -> memref<640x128xf32, #tpu.memory_space<vmem_shared>>
      tpu.enqueue_dma source(%dma_start3A_25 : memref<640x128xf32, #tpu.memory_space<vmem_shared>>) target(%dma_start3A_23 : memref<640x128xf32, #tpu.memory_space<hbm>>) target_semaphore(%run_scoped3A : memref<!tpu.dma_semaphore, #tpu.memory_space<semaphore_mem>>)
      %dma_wait3A = arith.constant 0 : i32
      %dma_wait3A_26 = tpu.memref_slice %arg6[%arg0, %mul3A_21, %dma_wait3A] : memref<2x10240x128xf32, #tpu.memory_space<hbm>> -> memref<1x640x128xf32, #tpu.memory_space<hbm>>
      %dma_wait3A_27 = tpu.memref_squeeze %dma_wait3A_26 : memref<1x640x128xf32, #tpu.memory_space<hbm>> -> memref<640x128xf32, #tpu.memory_space<hbm>>
      %dma_wait3A_28 = arith.constant 0 : i32
      %dma_wait3A_29 = tpu.memref_slice %arg10[%mul3A_19, %dma_wait3A_28] : memref<10240x128xf32, #tpu.memory_space<vmem_shared>> -> memref<640x128xf32, #tpu.memory_space<vmem_shared>>
      tpu.wait_dma2 semaphore(%run_scoped3A : memref<!tpu.dma_semaphore, #tpu.memory_space<semaphore_mem>>) src(%dma_wait3A_29 : memref<640x128xf32, #tpu.memory_space<vmem_shared>>) dst(%dma_wait3A_27 : memref<640x128xf32, #tpu.memory_space<hbm>>)
      tpu.yield
    }) : () -> ()
    return
  }
}

#map = affine_map<(d0, d1) -> (0, 0, 0)>
#map1 = affine_map<(d0, d1) -> (0)>
module attributes {stable_mosaic.version = 14 : i64} {
  func.func @deg_kernel(%arg0: i32, %arg1: i32, %arg2: memref<32x110x128xi32, #tpu.memory_space<hbm>>, %arg3: memref<640xf32, #tpu.memory_space<hbm>>, %arg4: memref<20480xf32, #tpu.memory_space<hbm>>, %arg5: memref<110x128xi32, #tpu.memory_space<vmem>>, %arg6: memref<128xf32, #tpu.memory_space<vmem>>, %arg7: memref<10240xf32, #tpu.memory_space<vmem_shared>>, %arg8: memref<!tpu.dma_semaphore, #tpu.memory_space<semaphore_mem>>) attributes {dimension_semantics = [#tpu.dimension_semantics<core_parallel>, #tpu.dimension_semantics<subcore_parallel>], iteration_bounds = array<i64: 2, 16>, scalar_prefetch = 0 : i64, scratch_operands = 4 : i64, tpu.core_type = #tpu.core_type<sc_vector_subcore>, window_params = [{transform_indices = #map}, {transform_indices = #map1}, {transform_indices = #map1}]} {
    %mul3A = arith.constant 16 : i32
    %mul3A_0 = arith.muli %arg0, %mul3A : i32
    %add3A = arith.addi %mul3A_0, %arg1 : i32
    %eq3A = arith.constant 0 : i32
    %eq3A_1 = arith.cmpi eq, %arg0, %eq3A : i32
    %select_n3A = arith.constant 48 : i32
    %select_n3A_2 = arith.constant 110 : i32
    %select_n3A_3 = arith.select %eq3A_1, %select_n3A_2, %select_n3A : i32
    "tpu.region"() ({
      %run_scoped3A = tpu.sem_alloc : memref<!tpu.dma_semaphore, #tpu.memory_space<semaphore_mem>>
      %dma_start3A = arith.constant 0 : i32
      %dma_start3A_31 = arith.constant 0 : i32
      %dma_start3A_32 = tpu.memref_slice %arg2[%add3A, %dma_start3A, %dma_start3A_31] : memref<32x110x128xi32, #tpu.memory_space<hbm>> -> memref<1x110x128xi32, #tpu.memory_space<hbm>>
      %dma_start3A_33 = tpu.memref_squeeze %dma_start3A_32 : memref<1x110x128xi32, #tpu.memory_space<hbm>> -> memref<110x128xi32, #tpu.memory_space<hbm>>
      %dma_start3A_34 = arith.constant 0 : i32
      %dma_start3A_35 = arith.constant 0 : i32
      %dma_start3A_36 = tpu.memref_slice %arg2[%add3A, %dma_start3A_34, %dma_start3A_35] : memref<32x110x128xi32, #tpu.memory_space<hbm>> -> memref<1x110x128xi32, #tpu.memory_space<hbm>>
      %dma_start3A_37 = tpu.memref_squeeze %dma_start3A_36 : memref<1x110x128xi32, #tpu.memory_space<hbm>> -> memref<110x128xi32, #tpu.memory_space<hbm>>
      tpu.enqueue_dma source(%dma_start3A_37 : memref<110x128xi32, #tpu.memory_space<hbm>>) target(%arg5 : memref<110x128xi32, #tpu.memory_space<vmem>>) target_semaphore(%run_scoped3A : memref<!tpu.dma_semaphore, #tpu.memory_space<semaphore_mem>>)
      %dma_wait3A = arith.constant 0 : i32
      %dma_wait3A_38 = arith.constant 0 : i32
      %dma_wait3A_39 = tpu.memref_slice %arg2[%add3A, %dma_wait3A, %dma_wait3A_38] : memref<32x110x128xi32, #tpu.memory_space<hbm>> -> memref<1x110x128xi32, #tpu.memory_space<hbm>>
      %dma_wait3A_40 = tpu.memref_squeeze %dma_wait3A_39 : memref<1x110x128xi32, #tpu.memory_space<hbm>> -> memref<110x128xi32, #tpu.memory_space<hbm>>
      %dma_wait3A_41 = arith.constant 0 : i32
      %dma_wait3A_42 = arith.constant 0 : i32
      %dma_wait3A_43 = tpu.memref_slice %arg2[%add3A, %dma_wait3A_41, %dma_wait3A_42] : memref<32x110x128xi32, #tpu.memory_space<hbm>> -> memref<1x110x128xi32, #tpu.memory_space<hbm>>
      %dma_wait3A_44 = tpu.memref_squeeze %dma_wait3A_43 : memref<1x110x128xi32, #tpu.memory_space<hbm>> -> memref<110x128xi32, #tpu.memory_space<hbm>>
      tpu.wait_dma2 semaphore(%run_scoped3A : memref<!tpu.dma_semaphore, #tpu.memory_space<semaphore_mem>>) src(%dma_wait3A_44 : memref<110x128xi32, #tpu.memory_space<hbm>>) dst(%arg5 : memref<110x128xi32, #tpu.memory_space<vmem>>)
      tpu.yield
    }) : () -> ()
    %scan3A = arith.constant 0 : i32
    %scan3A_4 = arith.constant 0 : i32
    %scan3A_5 = arith.constant 8 : i32
    %scan3A_6 = arith.addi %scan3A_4, %scan3A_5 : i32
    %scan3A_7 = arith.constant 1 : i32
    %scan3A_8 = scf.for %scan3A_31 = %scan3A_4 to %scan3A_6 step %scan3A_7 iter_args(%scan3A_32 = %scan3A) -> (i32)  : i32 {
      %broadcast_in_dim3A = arith.constant 1.000000e+00 : f32
      %broadcast_in_dim3A_33 = vector.broadcast %broadcast_in_dim3A : f32 to vector<16xf32>
      %mul3A_34 = arith.constant 16 : i32
      %mul3A_35 = arith.muli %scan3A_31, %mul3A_34 : i32
      %swap3A = arith.index_cast %mul3A_35 : i32 to index
      %swap3A_36 = tpu.vector_load %arg6[%swap3A] {strides = array<i32>} : memref<128xf32, #tpu.memory_space<vmem>>, vector<16xf32>,
      %swap3A_37 = vector.shape_cast %swap3A_36 : vector<16xf32> to vector<16xf32>
      %swap3A_38 = vector.shape_cast %broadcast_in_dim3A_33 : vector<16xf32> to vector<16xf32>
      tpu.vector_store %arg6[%swap3A], %swap3A_38 {strides = array<i32>} : memref<128xf32, #tpu.memory_space<vmem>>, vector<16xf32>,
      %scan3A_39 = arith.constant 0 : i32
      scf.yield %scan3A_39 : i32
    }
    %scan3A_9 = arith.constant 8 : i32
    %mul3A_10 = arith.constant 640 : i32
    %mul3A_11 = arith.muli %arg1, %mul3A_10 : i32
    "tpu.region"() ({
      %run_scoped3A = tpu.sem_alloc : memref<!tpu.dma_semaphore, #tpu.memory_space<semaphore_mem>>
      %dma_start3A = tpu.memref_slice %arg7[%mul3A_11] : memref<10240xf32, #tpu.memory_space<vmem_shared>> -> memref<640xf32, #tpu.memory_space<vmem_shared>>
      tpu.enqueue_dma source(%arg3 : memref<640xf32, #tpu.memory_space<hbm>>) target(%dma_start3A : memref<640xf32, #tpu.memory_space<vmem_shared>>) target_semaphore(%run_scoped3A : memref<!tpu.dma_semaphore, #tpu.memory_space<semaphore_mem>>)
      %dma_wait3A = tpu.memref_slice %arg7[%mul3A_11] : memref<10240xf32, #tpu.memory_space<vmem_shared>> -> memref<640xf32, #tpu.memory_space<vmem_shared>>
      tpu.wait_dma2 semaphore(%run_scoped3A : memref<!tpu.dma_semaphore, #tpu.memory_space<semaphore_mem>>) src(%arg3 : memref<640xf32, #tpu.memory_space<hbm>>) dst(%dma_wait3A : memref<640xf32, #tpu.memory_space<vmem_shared>>)
      tpu.yield
    }) : () -> ()
    %barrier3A = arith.constant 0 : index
    tpu.barrier barrier_id(%barrier3A)
    %while3A = arith.constant 0 : i32
    %while3A_12 = arith.constant 0 : i32
    %while3A_13 = arith.subi %select_n3A_3, %while3A : i32
    %while3A_14 = arith.addi %while3A, %while3A_13 : i32
    %while3A_15 = arith.constant 1 : i32
    %while3A_16 = arith.divsi %while3A_13, %while3A_15 : i32
    %while3A_17 = arith.muli %while3A_16, %while3A_15 : i32
    %while3A_18 = arith.addi %while3A, %while3A_17 : i32
    %while3A_19 = arith.constant 1 : i32
    %while3A_20 = scf.for %while3A_31 = %while3A to %while3A_18 step %while3A_19 iter_args(%while3A_32 = %while3A_12) -> (i32)  : i32 {
      "tpu.region"() ({
        %run_scoped3A = tpu.sem_alloc : memref<!tpu.dma_semaphore, #tpu.memory_space<semaphore_mem>>
        %dma_start3A = arith.constant 0 : i32
        %dma_start3A_34 = tpu.memref_slice %arg5[%while3A_31, %dma_start3A] : memref<110x128xi32, #tpu.memory_space<vmem>> -> memref<1x128xi32, #tpu.memory_space<vmem>>
        %dma_start3A_35 = tpu.memref_squeeze %dma_start3A_34 : memref<1x128xi32, #tpu.memory_space<vmem>> -> memref<128xi32, #tpu.memory_space<vmem>>
        %dma_start3A_36 = arith.constant 0 : i32
        %dma_start3A_37 = tpu.memref_slice %arg7[%dma_start3A_36] : memref<10240xf32, #tpu.memory_space<vmem_shared>> -> memref<10240xf32, #tpu.memory_space<vmem_shared>>
        tpu.enqueue_indirect_dma source(%arg6 : memref<128xf32, #tpu.memory_space<vmem>>) target(%dma_start3A_37 : memref<10240xf32, #tpu.memory_space<vmem_shared>>) offsets(%dma_start3A_35 : memref<128xi32, #tpu.memory_space<vmem>>) semaphore(%run_scoped3A : memref<!tpu.dma_semaphore, #tpu.memory_space<semaphore_mem>>) {add = true}
        %dma_wait3A = arith.constant 0 : i32
        %dma_wait3A_38 = tpu.memref_slice %arg5[%while3A_31, %dma_wait3A] : memref<110x128xi32, #tpu.memory_space<vmem>> -> memref<1x128xi32, #tpu.memory_space<vmem>>
        %dma_wait3A_39 = tpu.memref_squeeze %dma_wait3A_38 : memref<1x128xi32, #tpu.memory_space<vmem>> -> memref<128xi32, #tpu.memory_space<vmem>>
        %dma_wait3A_40 = arith.constant 0 : i32
        %dma_wait3A_41 = tpu.memref_slice %arg7[%dma_wait3A_40] : memref<10240xf32, #tpu.memory_space<vmem_shared>> -> memref<10240xf32, #tpu.memory_space<vmem_shared>>
        tpu.wait_indirect_dma semaphore(%run_scoped3A : memref<!tpu.dma_semaphore, #tpu.memory_space<semaphore_mem>>) src(%arg6 : memref<128xf32, #tpu.memory_space<vmem>>) dst(%dma_wait3A_41 : memref<10240xf32, #tpu.memory_space<vmem_shared>>)
        tpu.yield
      }) : () -> ()
      %while3A_33 = arith.constant 0 : i32
      scf.yield %while3A_33 : i32
    }
    %while3A_21 = arith.constant 1 : i32
    %while3A_22 = scf.for %while3A_31 = %while3A_18 to %while3A_14 step %while3A_21 iter_args(%while3A_32 = %while3A_20) -> (i32)  : i32 {
      "tpu.region"() ({
        %run_scoped3A = tpu.sem_alloc : memref<!tpu.dma_semaphore, #tpu.memory_space<semaphore_mem>>
        %dma_start3A = arith.constant 0 : i32
        %dma_start3A_34 = tpu.memref_slice %arg5[%while3A_31, %dma_start3A] : memref<110x128xi32, #tpu.memory_space<vmem>> -> memref<1x128xi32, #tpu.memory_space<vmem>>
        %dma_start3A_35 = tpu.memref_squeeze %dma_start3A_34 : memref<1x128xi32, #tpu.memory_space<vmem>> -> memref<128xi32, #tpu.memory_space<vmem>>
        %dma_start3A_36 = arith.constant 0 : i32
        %dma_start3A_37 = tpu.memref_slice %arg7[%dma_start3A_36] : memref<10240xf32, #tpu.memory_space<vmem_shared>> -> memref<10240xf32, #tpu.memory_space<vmem_shared>>
        tpu.enqueue_indirect_dma source(%arg6 : memref<128xf32, #tpu.memory_space<vmem>>) target(%dma_start3A_37 : memref<10240xf32, #tpu.memory_space<vmem_shared>>) offsets(%dma_start3A_35 : memref<128xi32, #tpu.memory_space<vmem>>) semaphore(%run_scoped3A : memref<!tpu.dma_semaphore, #tpu.memory_space<semaphore_mem>>) {add = true}
        %dma_wait3A = arith.constant 0 : i32
        %dma_wait3A_38 = tpu.memref_slice %arg5[%while3A_31, %dma_wait3A] : memref<110x128xi32, #tpu.memory_space<vmem>> -> memref<1x128xi32, #tpu.memory_space<vmem>>
        %dma_wait3A_39 = tpu.memref_squeeze %dma_wait3A_38 : memref<1x128xi32, #tpu.memory_space<vmem>> -> memref<128xi32, #tpu.memory_space<vmem>>
        %dma_wait3A_40 = arith.constant 0 : i32
        %dma_wait3A_41 = tpu.memref_slice %arg7[%dma_wait3A_40] : memref<10240xf32, #tpu.memory_space<vmem_shared>> -> memref<10240xf32, #tpu.memory_space<vmem_shared>>
        tpu.wait_indirect_dma semaphore(%run_scoped3A : memref<!tpu.dma_semaphore, #tpu.memory_space<semaphore_mem>>) src(%arg6 : memref<128xf32, #tpu.memory_space<vmem>>) dst(%dma_wait3A_41 : memref<10240xf32, #tpu.memory_space<vmem_shared>>)
        tpu.yield
      }) : () -> ()
      %while3A_33 = arith.constant 0 : i32
      scf.yield %while3A_33 : i32
    }
    %barrier3A_23 = arith.constant 0 : index
    tpu.barrier barrier_id(%barrier3A_23)
    %mul3A_24 = arith.constant 640 : i32
    %mul3A_25 = arith.muli %arg1, %mul3A_24 : i32
    %mul3A_26 = arith.constant 10240 : i32
    %mul3A_27 = arith.muli %arg0, %mul3A_26 : i32
    %mul3A_28 = arith.constant 640 : i32
    %mul3A_29 = arith.muli %arg1, %mul3A_28 : i32
    %add3A_30 = arith.addi %mul3A_27, %mul3A_29 : i32
    "tpu.region"() ({
      %run_scoped3A = tpu.sem_alloc : memref<!tpu.dma_semaphore, #tpu.memory_space<semaphore_mem>>
      %dma_start3A = tpu.memref_slice %arg4[%add3A_30] : memref<20480xf32, #tpu.memory_space<hbm>> -> memref<640xf32, #tpu.memory_space<hbm>>
      %dma_start3A_31 = tpu.memref_slice %arg7[%mul3A_25] : memref<10240xf32, #tpu.memory_space<vmem_shared>> -> memref<640xf32, #tpu.memory_space<vmem_shared>>
      tpu.enqueue_dma source(%dma_start3A_31 : memref<640xf32, #tpu.memory_space<vmem_shared>>) target(%dma_start3A : memref<640xf32, #tpu.memory_space<hbm>>) target_semaphore(%run_scoped3A : memref<!tpu.dma_semaphore, #tpu.memory_space<semaphore_mem>>)
      %dma_wait3A = tpu.memref_slice %arg4[%add3A_30] : memref<20480xf32, #tpu.memory_space<hbm>> -> memref<640xf32, #tpu.memory_space<hbm>>
      %dma_wait3A_32 = tpu.memref_slice %arg7[%mul3A_25] : memref<10240xf32, #tpu.memory_space<vmem_shared>> -> memref<640xf32, #tpu.memory_space<vmem_shared>>
      tpu.wait_dma2 semaphore(%run_scoped3A : memref<!tpu.dma_semaphore, #tpu.memory_space<semaphore_mem>>) src(%dma_wait3A_32 : memref<640xf32, #tpu.memory_space<vmem_shared>>) dst(%dma_wait3A : memref<640xf32, #tpu.memory_space<hbm>>)
      tpu.yield
    }) : () -> ()
    return
  }
}

#map = affine_map<(d0, d1) -> (0, 0)>
#map1 = affine_map<(d0, d1) -> (0, 0, 0)>
module attributes {stable_mosaic.version = 14 : i64} {
  func.func @spmm_kernel(%arg0: i32, %arg1: i32, %arg2: memref<10240x128xf32, #tpu.memory_space<hbm>>, %arg3: memref<32x110x128xi32, #tpu.memory_space<hbm>>, %arg4: memref<32x110x128xi32, #tpu.memory_space<hbm>>, %arg5: memref<640x128xf32, #tpu.memory_space<hbm>>, %arg6: memref<2x10240x128xf32, #tpu.memory_space<hbm>>, %arg7: memref<110x128xi32, #tpu.memory_space<vmem>>, %arg8: memref<110x128xi32, #tpu.memory_space<vmem>>, %arg9: memref<128x128xf32, #tpu.memory_space<vmem>>, %arg10: memref<10240x128xf32, #tpu.memory_space<vmem_shared>>, %arg11: memref<!tpu.dma_semaphore, #tpu.memory_space<semaphore_mem>>) attributes {dimension_semantics = [#tpu.dimension_semantics<core_parallel>, #tpu.dimension_semantics<subcore_parallel>], iteration_bounds = array<i64: 2, 16>, scalar_prefetch = 0 : i64, scratch_operands = 5 : i64, tpu.core_type = #tpu.core_type<sc_vector_subcore>, window_params = [{transform_indices = #map}, {transform_indices = #map1}, {transform_indices = #map1}, {transform_indices = #map}, {transform_indices = #map1}]} {
    %mul3A = arith.constant 16 : i32
    %mul3A_0 = arith.muli %arg0, %mul3A : i32
    %add3A = arith.addi %mul3A_0, %arg1 : i32
    %eq3A = arith.constant 0 : i32
    %eq3A_1 = arith.cmpi eq, %arg0, %eq3A : i32
    %select_n3A = arith.constant 48 : i32
    %select_n3A_2 = arith.constant 110 : i32
    %select_n3A_3 = arith.select %eq3A_1, %select_n3A_2, %select_n3A : i32
    "tpu.region"() ({
      %run_scoped3A = tpu.sem_alloc : memref<!tpu.dma_semaphore, #tpu.memory_space<semaphore_mem>>
      %dma_start3A = arith.constant 0 : i32
      %dma_start3A_22 = arith.constant 0 : i32
      %dma_start3A_23 = tpu.memref_slice %arg3[%add3A, %dma_start3A, %dma_start3A_22] : memref<32x110x128xi32, #tpu.memory_space<hbm>> -> memref<1x110x128xi32, #tpu.memory_space<hbm>>
      %dma_start3A_24 = tpu.memref_squeeze %dma_start3A_23 : memref<1x110x128xi32, #tpu.memory_space<hbm>> -> memref<110x128xi32, #tpu.memory_space<hbm>>
      %dma_start3A_25 = arith.constant 0 : i32
      %dma_start3A_26 = arith.constant 0 : i32
      %dma_start3A_27 = tpu.memref_slice %arg3[%add3A, %dma_start3A_25, %dma_start3A_26] : memref<32x110x128xi32, #tpu.memory_space<hbm>> -> memref<1x110x128xi32, #tpu.memory_space<hbm>>
      %dma_start3A_28 = tpu.memref_squeeze %dma_start3A_27 : memref<1x110x128xi32, #tpu.memory_space<hbm>> -> memref<110x128xi32, #tpu.memory_space<hbm>>
      tpu.enqueue_dma source(%dma_start3A_28 : memref<110x128xi32, #tpu.memory_space<hbm>>) target(%arg7 : memref<110x128xi32, #tpu.memory_space<vmem>>) target_semaphore(%run_scoped3A : memref<!tpu.dma_semaphore, #tpu.memory_space<semaphore_mem>>)
      %dma_wait3A = arith.constant 0 : i32
      %dma_wait3A_29 = arith.constant 0 : i32
      %dma_wait3A_30 = tpu.memref_slice %arg3[%add3A, %dma_wait3A, %dma_wait3A_29] : memref<32x110x128xi32, #tpu.memory_space<hbm>> -> memref<1x110x128xi32, #tpu.memory_space<hbm>>
      %dma_wait3A_31 = tpu.memref_squeeze %dma_wait3A_30 : memref<1x110x128xi32, #tpu.memory_space<hbm>> -> memref<110x128xi32, #tpu.memory_space<hbm>>
      %dma_wait3A_32 = arith.constant 0 : i32
      %dma_wait3A_33 = arith.constant 0 : i32
      %dma_wait3A_34 = tpu.memref_slice %arg3[%add3A, %dma_wait3A_32, %dma_wait3A_33] : memref<32x110x128xi32, #tpu.memory_space<hbm>> -> memref<1x110x128xi32, #tpu.memory_space<hbm>>
      %dma_wait3A_35 = tpu.memref_squeeze %dma_wait3A_34 : memref<1x110x128xi32, #tpu.memory_space<hbm>> -> memref<110x128xi32, #tpu.memory_space<hbm>>
      tpu.wait_dma2 semaphore(%run_scoped3A : memref<!tpu.dma_semaphore, #tpu.memory_space<semaphore_mem>>) src(%dma_wait3A_35 : memref<110x128xi32, #tpu.memory_space<hbm>>) dst(%arg7 : memref<110x128xi32, #tpu.memory_space<vmem>>)
      tpu.yield
    }) : () -> ()
    "tpu.region"() ({
      %run_scoped3A = tpu.sem_alloc : memref<!tpu.dma_semaphore, #tpu.memory_space<semaphore_mem>>
      %dma_start3A = arith.constant 0 : i32
      %dma_start3A_22 = arith.constant 0 : i32
      %dma_start3A_23 = tpu.memref_slice %arg4[%add3A, %dma_start3A, %dma_start3A_22] : memref<32x110x128xi32, #tpu.memory_space<hbm>> -> memref<1x110x128xi32, #tpu.memory_space<hbm>>
      %dma_start3A_24 = tpu.memref_squeeze %dma_start3A_23 : memref<1x110x128xi32, #tpu.memory_space<hbm>> -> memref<110x128xi32, #tpu.memory_space<hbm>>
      %dma_start3A_25 = arith.constant 0 : i32
      %dma_start3A_26 = arith.constant 0 : i32
      %dma_start3A_27 = tpu.memref_slice %arg4[%add3A, %dma_start3A_25, %dma_start3A_26] : memref<32x110x128xi32, #tpu.memory_space<hbm>> -> memref<1x110x128xi32, #tpu.memory_space<hbm>>
      %dma_start3A_28 = tpu.memref_squeeze %dma_start3A_27 : memref<1x110x128xi32, #tpu.memory_space<hbm>> -> memref<110x128xi32, #tpu.memory_space<hbm>>
      tpu.enqueue_dma source(%dma_start3A_28 : memref<110x128xi32, #tpu.memory_space<hbm>>) target(%arg8 : memref<110x128xi32, #tpu.memory_space<vmem>>) target_semaphore(%run_scoped3A : memref<!tpu.dma_semaphore, #tpu.memory_space<semaphore_mem>>)
      %dma_wait3A = arith.constant 0 : i32
      %dma_wait3A_29 = arith.constant 0 : i32
      %dma_wait3A_30 = tpu.memref_slice %arg4[%add3A, %dma_wait3A, %dma_wait3A_29] : memref<32x110x128xi32, #tpu.memory_space<hbm>> -> memref<1x110x128xi32, #tpu.memory_space<hbm>>
      %dma_wait3A_31 = tpu.memref_squeeze %dma_wait3A_30 : memref<1x110x128xi32, #tpu.memory_space<hbm>> -> memref<110x128xi32, #tpu.memory_space<hbm>>
      %dma_wait3A_32 = arith.constant 0 : i32
      %dma_wait3A_33 = arith.constant 0 : i32
      %dma_wait3A_34 = tpu.memref_slice %arg4[%add3A, %dma_wait3A_32, %dma_wait3A_33] : memref<32x110x128xi32, #tpu.memory_space<hbm>> -> memref<1x110x128xi32, #tpu.memory_space<hbm>>
      %dma_wait3A_35 = tpu.memref_squeeze %dma_wait3A_34 : memref<1x110x128xi32, #tpu.memory_space<hbm>> -> memref<110x128xi32, #tpu.memory_space<hbm>>
      tpu.wait_dma2 semaphore(%run_scoped3A : memref<!tpu.dma_semaphore, #tpu.memory_space<semaphore_mem>>) src(%dma_wait3A_35 : memref<110x128xi32, #tpu.memory_space<hbm>>) dst(%arg8 : memref<110x128xi32, #tpu.memory_space<vmem>>)
      tpu.yield
    }) : () -> ()
    %mul3A_4 = arith.constant 640 : i32
    %mul3A_5 = arith.muli %arg1, %mul3A_4 : i32
    "tpu.region"() ({
      %run_scoped3A = tpu.sem_alloc : memref<!tpu.dma_semaphore, #tpu.memory_space<semaphore_mem>>
      %dma_start3A = arith.constant 0 : i32
      %dma_start3A_22 = tpu.memref_slice %arg10[%mul3A_5, %dma_start3A] : memref<10240x128xf32, #tpu.memory_space<vmem_shared>> -> memref<640x128xf32, #tpu.memory_space<vmem_shared>>
      tpu.enqueue_dma source(%arg5 : memref<640x128xf32, #tpu.memory_space<hbm>>) target(%dma_start3A_22 : memref<640x128xf32, #tpu.memory_space<vmem_shared>>) target_semaphore(%run_scoped3A : memref<!tpu.dma_semaphore, #tpu.memory_space<semaphore_mem>>)
      %dma_wait3A = arith.constant 0 : i32
      %dma_wait3A_23 = tpu.memref_slice %arg10[%mul3A_5, %dma_wait3A] : memref<10240x128xf32, #tpu.memory_space<vmem_shared>> -> memref<640x128xf32, #tpu.memory_space<vmem_shared>>
      tpu.wait_dma2 semaphore(%run_scoped3A : memref<!tpu.dma_semaphore, #tpu.memory_space<semaphore_mem>>) src(%arg5 : memref<640x128xf32, #tpu.memory_space<hbm>>) dst(%dma_wait3A_23 : memref<640x128xf32, #tpu.memory_space<vmem_shared>>)
      tpu.yield
    }) : () -> ()
    %barrier3A = arith.constant 0 : index
    tpu.barrier barrier_id(%barrier3A)
    %while3A = arith.constant 0 : i32
    %while3A_6 = arith.constant 0 : i32
    %while3A_7 = arith.subi %select_n3A_3, %while3A : i32
    %while3A_8 = arith.addi %while3A, %while3A_7 : i32
    %while3A_9 = arith.constant 1 : i32
    %while3A_10 = arith.divsi %while3A_7, %while3A_9 : i32
    %while3A_11 = arith.muli %while3A_10, %while3A_9 : i32
    %while3A_12 = arith.addi %while3A, %while3A_11 : i32
    %while3A_13 = arith.constant 1 : i32
    %while3A_14 = scf.for %while3A_22 = %while3A to %while3A_12 step %while3A_13 iter_args(%while3A_23 = %while3A_6) -> (i32)  : i32 {
      %dma_start3A = arith.constant 0 : i32
      %dma_start3A_24 = tpu.memref_slice %arg7[%while3A_22, %dma_start3A] : memref<110x128xi32, #tpu.memory_space<vmem>> -> memref<1x128xi32, #tpu.memory_space<vmem>>
      %dma_start3A_25 = tpu.memref_squeeze %dma_start3A_24 : memref<1x128xi32, #tpu.memory_space<vmem>> -> memref<128xi32, #tpu.memory_space<vmem>>
      %dma_start3A_26 = arith.constant 0 : i32
      %dma_start3A_27 = arith.constant 0 : i32
      %dma_start3A_28 = tpu.memref_slice %arg2[%dma_start3A_26, %dma_start3A_27] : memref<10240x128xf32, #tpu.memory_space<hbm>> -> memref<10240x128xf32, #tpu.memory_space<hbm>>
      tpu.enqueue_indirect_dma source(%dma_start3A_28 : memref<10240x128xf32, #tpu.memory_space<hbm>>) target(%arg9 : memref<128x128xf32, #tpu.memory_space<vmem>>) offsets(%dma_start3A_25 : memref<128xi32, #tpu.memory_space<vmem>>) semaphore(%arg11 : memref<!tpu.dma_semaphore, #tpu.memory_space<semaphore_mem>>)
      %dma_wait3A = arith.constant 0 : i32
      %dma_wait3A_29 = tpu.memref_slice %arg7[%while3A_22, %dma_wait3A] : memref<110x128xi32, #tpu.memory_space<vmem>> -> memref<1x128xi32, #tpu.memory_space<vmem>>
      %dma_wait3A_30 = tpu.memref_squeeze %dma_wait3A_29 : memref<1x128xi32, #tpu.memory_space<vmem>> -> memref<128xi32, #tpu.memory_space<vmem>>
      %dma_wait3A_31 = arith.constant 0 : i32
      %dma_wait3A_32 = arith.constant 0 : i32
      %dma_wait3A_33 = tpu.memref_slice %arg2[%dma_wait3A_31, %dma_wait3A_32] : memref<10240x128xf32, #tpu.memory_space<hbm>> -> memref<10240x128xf32, #tpu.memory_space<hbm>>
      tpu.wait_indirect_dma semaphore(%arg11 : memref<!tpu.dma_semaphore, #tpu.memory_space<semaphore_mem>>) src(%dma_wait3A_33 : memref<10240x128xf32, #tpu.memory_space<hbm>>) dst(%arg9 : memref<128x128xf32, #tpu.memory_space<vmem>>)
      "tpu.region"() ({
        %run_scoped3A = tpu.sem_alloc : memref<!tpu.dma_semaphore, #tpu.memory_space<semaphore_mem>>
        %dma_start3A_35 = arith.constant 0 : i32
        %dma_start3A_36 = tpu.memref_slice %arg8[%while3A_22, %dma_start3A_35] : memref<110x128xi32, #tpu.memory_space<vmem>> -> memref<1x128xi32, #tpu.memory_space<vmem>>
        %dma_start3A_37 = tpu.memref_squeeze %dma_start3A_36 : memref<1x128xi32, #tpu.memory_space<vmem>> -> memref<128xi32, #tpu.memory_space<vmem>>
        %dma_start3A_38 = arith.constant 0 : i32
        %dma_start3A_39 = arith.constant 0 : i32
        %dma_start3A_40 = tpu.memref_slice %arg10[%dma_start3A_38, %dma_start3A_39] : memref<10240x128xf32, #tpu.memory_space<vmem_shared>> -> memref<10240x128xf32, #tpu.memory_space<vmem_shared>>
        tpu.enqueue_indirect_dma source(%arg9 : memref<128x128xf32, #tpu.memory_space<vmem>>) target(%dma_start3A_40 : memref<10240x128xf32, #tpu.memory_space<vmem_shared>>) offsets(%dma_start3A_37 : memref<128xi32, #tpu.memory_space<vmem>>) semaphore(%run_scoped3A : memref<!tpu.dma_semaphore, #tpu.memory_space<semaphore_mem>>) {add = true}
        %dma_wait3A_41 = arith.constant 0 : i32
        %dma_wait3A_42 = tpu.memref_slice %arg8[%while3A_22, %dma_wait3A_41] : memref<110x128xi32, #tpu.memory_space<vmem>> -> memref<1x128xi32, #tpu.memory_space<vmem>>
        %dma_wait3A_43 = tpu.memref_squeeze %dma_wait3A_42 : memref<1x128xi32, #tpu.memory_space<vmem>> -> memref<128xi32, #tpu.memory_space<vmem>>
        %dma_wait3A_44 = arith.constant 0 : i32
        %dma_wait3A_45 = arith.constant 0 : i32
        %dma_wait3A_46 = tpu.memref_slice %arg10[%dma_wait3A_44, %dma_wait3A_45] : memref<10240x128xf32, #tpu.memory_space<vmem_shared>> -> memref<10240x128xf32, #tpu.memory_space<vmem_shared>>
        tpu.wait_indirect_dma semaphore(%run_scoped3A : memref<!tpu.dma_semaphore, #tpu.memory_space<semaphore_mem>>) src(%arg9 : memref<128x128xf32, #tpu.memory_space<vmem>>) dst(%dma_wait3A_46 : memref<10240x128xf32, #tpu.memory_space<vmem_shared>>)
        tpu.yield
      }) : () -> ()
      %while3A_34 = arith.constant 0 : i32
      scf.yield %while3A_34 : i32
    }
    %while3A_15 = arith.constant 1 : i32
    %while3A_16 = scf.for %while3A_22 = %while3A_12 to %while3A_8 step %while3A_15 iter_args(%while3A_23 = %while3A_14) -> (i32)  : i32 {
      %dma_start3A = arith.constant 0 : i32
      %dma_start3A_24 = tpu.memref_slice %arg7[%while3A_22, %dma_start3A] : memref<110x128xi32, #tpu.memory_space<vmem>> -> memref<1x128xi32, #tpu.memory_space<vmem>>
      %dma_start3A_25 = tpu.memref_squeeze %dma_start3A_24 : memref<1x128xi32, #tpu.memory_space<vmem>> -> memref<128xi32, #tpu.memory_space<vmem>>
      %dma_start3A_26 = arith.constant 0 : i32
      %dma_start3A_27 = arith.constant 0 : i32
      %dma_start3A_28 = tpu.memref_slice %arg2[%dma_start3A_26, %dma_start3A_27] : memref<10240x128xf32, #tpu.memory_space<hbm>> -> memref<10240x128xf32, #tpu.memory_space<hbm>>
      tpu.enqueue_indirect_dma source(%dma_start3A_28 : memref<10240x128xf32, #tpu.memory_space<hbm>>) target(%arg9 : memref<128x128xf32, #tpu.memory_space<vmem>>) offsets(%dma_start3A_25 : memref<128xi32, #tpu.memory_space<vmem>>) semaphore(%arg11 : memref<!tpu.dma_semaphore, #tpu.memory_space<semaphore_mem>>)
      %dma_wait3A = arith.constant 0 : i32
      %dma_wait3A_29 = tpu.memref_slice %arg7[%while3A_22, %dma_wait3A] : memref<110x128xi32, #tpu.memory_space<vmem>> -> memref<1x128xi32, #tpu.memory_space<vmem>>
      %dma_wait3A_30 = tpu.memref_squeeze %dma_wait3A_29 : memref<1x128xi32, #tpu.memory_space<vmem>> -> memref<128xi32, #tpu.memory_space<vmem>>
      %dma_wait3A_31 = arith.constant 0 : i32
      %dma_wait3A_32 = arith.constant 0 : i32
      %dma_wait3A_33 = tpu.memref_slice %arg2[%dma_wait3A_31, %dma_wait3A_32] : memref<10240x128xf32, #tpu.memory_space<hbm>> -> memref<10240x128xf32, #tpu.memory_space<hbm>>
      tpu.wait_indirect_dma semaphore(%arg11 : memref<!tpu.dma_semaphore, #tpu.memory_space<semaphore_mem>>) src(%dma_wait3A_33 : memref<10240x128xf32, #tpu.memory_space<hbm>>) dst(%arg9 : memref<128x128xf32, #tpu.memory_space<vmem>>)
      "tpu.region"() ({
        %run_scoped3A = tpu.sem_alloc : memref<!tpu.dma_semaphore, #tpu.memory_space<semaphore_mem>>
        %dma_start3A_35 = arith.constant 0 : i32
        %dma_start3A_36 = tpu.memref_slice %arg8[%while3A_22, %dma_start3A_35] : memref<110x128xi32, #tpu.memory_space<vmem>> -> memref<1x128xi32, #tpu.memory_space<vmem>>
        %dma_start3A_37 = tpu.memref_squeeze %dma_start3A_36 : memref<1x128xi32, #tpu.memory_space<vmem>> -> memref<128xi32, #tpu.memory_space<vmem>>
        %dma_start3A_38 = arith.constant 0 : i32
        %dma_start3A_39 = arith.constant 0 : i32
        %dma_start3A_40 = tpu.memref_slice %arg10[%dma_start3A_38, %dma_start3A_39] : memref<10240x128xf32, #tpu.memory_space<vmem_shared>> -> memref<10240x128xf32, #tpu.memory_space<vmem_shared>>
        tpu.enqueue_indirect_dma source(%arg9 : memref<128x128xf32, #tpu.memory_space<vmem>>) target(%dma_start3A_40 : memref<10240x128xf32, #tpu.memory_space<vmem_shared>>) offsets(%dma_start3A_37 : memref<128xi32, #tpu.memory_space<vmem>>) semaphore(%run_scoped3A : memref<!tpu.dma_semaphore, #tpu.memory_space<semaphore_mem>>) {add = true}
        %dma_wait3A_41 = arith.constant 0 : i32
        %dma_wait3A_42 = tpu.memref_slice %arg8[%while3A_22, %dma_wait3A_41] : memref<110x128xi32, #tpu.memory_space<vmem>> -> memref<1x128xi32, #tpu.memory_space<vmem>>
        %dma_wait3A_43 = tpu.memref_squeeze %dma_wait3A_42 : memref<1x128xi32, #tpu.memory_space<vmem>> -> memref<128xi32, #tpu.memory_space<vmem>>
        %dma_wait3A_44 = arith.constant 0 : i32
        %dma_wait3A_45 = arith.constant 0 : i32
        %dma_wait3A_46 = tpu.memref_slice %arg10[%dma_wait3A_44, %dma_wait3A_45] : memref<10240x128xf32, #tpu.memory_space<vmem_shared>> -> memref<10240x128xf32, #tpu.memory_space<vmem_shared>>
        tpu.wait_indirect_dma semaphore(%run_scoped3A : memref<!tpu.dma_semaphore, #tpu.memory_space<semaphore_mem>>) src(%arg9 : memref<128x128xf32, #tpu.memory_space<vmem>>) dst(%dma_wait3A_46 : memref<10240x128xf32, #tpu.memory_space<vmem_shared>>)
        tpu.yield
      }) : () -> ()
      %while3A_34 = arith.constant 0 : i32
      scf.yield %while3A_34 : i32
    }
    %barrier3A_17 = arith.constant 0 : index
    tpu.barrier barrier_id(%barrier3A_17)
    %mul3A_18 = arith.constant 640 : i32
    %mul3A_19 = arith.muli %arg1, %mul3A_18 : i32
    %mul3A_20 = arith.constant 640 : i32
    %mul3A_21 = arith.muli %arg1, %mul3A_20 : i32
    "tpu.region"() ({
      %run_scoped3A = tpu.sem_alloc : memref<!tpu.dma_semaphore, #tpu.memory_space<semaphore_mem>>
      %dma_start3A = arith.constant 0 : i32
      %dma_start3A_22 = tpu.memref_slice %arg6[%arg0, %mul3A_21, %dma_start3A] : memref<2x10240x128xf32, #tpu.memory_space<hbm>> -> memref<1x640x128xf32, #tpu.memory_space<hbm>>
      %dma_start3A_23 = tpu.memref_squeeze %dma_start3A_22 : memref<1x640x128xf32, #tpu.memory_space<hbm>> -> memref<640x128xf32, #tpu.memory_space<hbm>>
      %dma_start3A_24 = arith.constant 0 : i32
      %dma_start3A_25 = tpu.memref_slice %arg10[%mul3A_19, %dma_start3A_24] : memref<10240x128xf32, #tpu.memory_space<vmem_shared>> -> memref<640x128xf32, #tpu.memory_space<vmem_shared>>
      tpu.enqueue_dma source(%dma_start3A_25 : memref<640x128xf32, #tpu.memory_space<vmem_shared>>) target(%dma_start3A_23 : memref<640x128xf32, #tpu.memory_space<hbm>>) target_semaphore(%run_scoped3A : memref<!tpu.dma_semaphore, #tpu.memory_space<semaphore_mem>>)
      %dma_wait3A = arith.constant 0 : i32
      %dma_wait3A_26 = tpu.memref_slice %arg6[%arg0, %mul3A_21, %dma_wait3A] : memref<2x10240x128xf32, #tpu.memory_space<hbm>> -> memref<1x640x128xf32, #tpu.memory_space<hbm>>
      %dma_wait3A_27 = tpu.memref_squeeze %dma_wait3A_26 : memref<1x640x128xf32, #tpu.memory_space<hbm>> -> memref<640x128xf32, #tpu.memory_space<hbm>>
      %dma_wait3A_28 = arith.constant 0 : i32
      %dma_wait3A_29 = tpu.memref_slice %arg10[%mul3A_19, %dma_wait3A_28] : memref<10240x128xf32, #tpu.memory_space<vmem_shared>> -> memref<640x128xf32, #tpu.memory_space<vmem_shared>>
      tpu.wait_dma2 semaphore(%run_scoped3A : memref<!tpu.dma_semaphore, #tpu.memory_space<semaphore_mem>>) src(%dma_wait3A_29 : memref<640x128xf32, #tpu.memory_space<vmem_shared>>) dst(%dma_wait3A_27 : memref<640x128xf32, #tpu.memory_space<hbm>>)
      tpu.yield
    }) : () -> ()
    return
  }
}

#map = affine_map<(d0, d1) -> (0, 0)>
#map1 = affine_map<(d0, d1) -> (0, 0, 0)>
module attributes {stable_mosaic.version = 14 : i64} {
  func.func @spmm_kernel(%arg0: i32, %arg1: i32, %arg2: memref<10240x128xf32, #tpu.memory_space<hbm>>, %arg3: memref<32x110x128xi32, #tpu.memory_space<hbm>>, %arg4: memref<32x110x128xi32, #tpu.memory_space<hbm>>, %arg5: memref<640x128xf32, #tpu.memory_space<hbm>>, %arg6: memref<2x10240x128xf32, #tpu.memory_space<hbm>>, %arg7: memref<110x128xi32, #tpu.memory_space<vmem>>, %arg8: memref<110x128xi32, #tpu.memory_space<vmem>>, %arg9: memref<128x128xf32, #tpu.memory_space<vmem>>, %arg10: memref<10240x128xf32, #tpu.memory_space<vmem_shared>>, %arg11: memref<!tpu.dma_semaphore, #tpu.memory_space<semaphore_mem>>) attributes {dimension_semantics = [#tpu.dimension_semantics<core_parallel>, #tpu.dimension_semantics<subcore_parallel>], iteration_bounds = array<i64: 2, 16>, scalar_prefetch = 0 : i64, scratch_operands = 5 : i64, tpu.core_type = #tpu.core_type<sc_vector_subcore>, window_params = [{transform_indices = #map}, {transform_indices = #map1}, {transform_indices = #map1}, {transform_indices = #map}, {transform_indices = #map1}]} {
    %mul3A = arith.constant 16 : i32
    %mul3A_0 = arith.muli %arg0, %mul3A : i32
    %add3A = arith.addi %mul3A_0, %arg1 : i32
    %eq3A = arith.constant 0 : i32
    %eq3A_1 = arith.cmpi eq, %arg0, %eq3A : i32
    %select_n3A = arith.constant 48 : i32
    %select_n3A_2 = arith.constant 110 : i32
    %select_n3A_3 = arith.select %eq3A_1, %select_n3A_2, %select_n3A : i32
    "tpu.region"() ({
      %run_scoped3A = tpu.sem_alloc : memref<!tpu.dma_semaphore, #tpu.memory_space<semaphore_mem>>
      %dma_start3A = arith.constant 0 : i32
      %dma_start3A_22 = arith.constant 0 : i32
      %dma_start3A_23 = tpu.memref_slice %arg3[%add3A, %dma_start3A, %dma_start3A_22] : memref<32x110x128xi32, #tpu.memory_space<hbm>> -> memref<1x110x128xi32, #tpu.memory_space<hbm>>
      %dma_start3A_24 = tpu.memref_squeeze %dma_start3A_23 : memref<1x110x128xi32, #tpu.memory_space<hbm>> -> memref<110x128xi32, #tpu.memory_space<hbm>>
      %dma_start3A_25 = arith.constant 0 : i32
      %dma_start3A_26 = arith.constant 0 : i32
      %dma_start3A_27 = tpu.memref_slice %arg3[%add3A, %dma_start3A_25, %dma_start3A_26] : memref<32x110x128xi32, #tpu.memory_space<hbm>> -> memref<1x110x128xi32, #tpu.memory_space<hbm>>
      %dma_start3A_28 = tpu.memref_squeeze %dma_start3A_27 : memref<1x110x128xi32, #tpu.memory_space<hbm>> -> memref<110x128xi32, #tpu.memory_space<hbm>>
      tpu.enqueue_dma source(%dma_start3A_28 : memref<110x128xi32, #tpu.memory_space<hbm>>) target(%arg7 : memref<110x128xi32, #tpu.memory_space<vmem>>) target_semaphore(%run_scoped3A : memref<!tpu.dma_semaphore, #tpu.memory_space<semaphore_mem>>)
      %dma_wait3A = arith.constant 0 : i32
      %dma_wait3A_29 = arith.constant 0 : i32
      %dma_wait3A_30 = tpu.memref_slice %arg3[%add3A, %dma_wait3A, %dma_wait3A_29] : memref<32x110x128xi32, #tpu.memory_space<hbm>> -> memref<1x110x128xi32, #tpu.memory_space<hbm>>
      %dma_wait3A_31 = tpu.memref_squeeze %dma_wait3A_30 : memref<1x110x128xi32, #tpu.memory_space<hbm>> -> memref<110x128xi32, #tpu.memory_space<hbm>>
      %dma_wait3A_32 = arith.constant 0 : i32
      %dma_wait3A_33 = arith.constant 0 : i32
      %dma_wait3A_34 = tpu.memref_slice %arg3[%add3A, %dma_wait3A_32, %dma_wait3A_33] : memref<32x110x128xi32, #tpu.memory_space<hbm>> -> memref<1x110x128xi32, #tpu.memory_space<hbm>>
      %dma_wait3A_35 = tpu.memref_squeeze %dma_wait3A_34 : memref<1x110x128xi32, #tpu.memory_space<hbm>> -> memref<110x128xi32, #tpu.memory_space<hbm>>
      tpu.wait_dma2 semaphore(%run_scoped3A : memref<!tpu.dma_semaphore, #tpu.memory_space<semaphore_mem>>) src(%dma_wait3A_35 : memref<110x128xi32, #tpu.memory_space<hbm>>) dst(%arg7 : memref<110x128xi32, #tpu.memory_space<vmem>>)
      tpu.yield
    }) : () -> ()
    "tpu.region"() ({
      %run_scoped3A = tpu.sem_alloc : memref<!tpu.dma_semaphore, #tpu.memory_space<semaphore_mem>>
      %dma_start3A = arith.constant 0 : i32
      %dma_start3A_22 = arith.constant 0 : i32
      %dma_start3A_23 = tpu.memref_slice %arg4[%add3A, %dma_start3A, %dma_start3A_22] : memref<32x110x128xi32, #tpu.memory_space<hbm>> -> memref<1x110x128xi32, #tpu.memory_space<hbm>>
      %dma_start3A_24 = tpu.memref_squeeze %dma_start3A_23 : memref<1x110x128xi32, #tpu.memory_space<hbm>> -> memref<110x128xi32, #tpu.memory_space<hbm>>
      %dma_start3A_25 = arith.constant 0 : i32
      %dma_start3A_26 = arith.constant 0 : i32
      %dma_start3A_27 = tpu.memref_slice %arg4[%add3A, %dma_start3A_25, %dma_start3A_26] : memref<32x110x128xi32, #tpu.memory_space<hbm>> -> memref<1x110x128xi32, #tpu.memory_space<hbm>>
      %dma_start3A_28 = tpu.memref_squeeze %dma_start3A_27 : memref<1x110x128xi32, #tpu.memory_space<hbm>> -> memref<110x128xi32, #tpu.memory_space<hbm>>
      tpu.enqueue_dma source(%dma_start3A_28 : memref<110x128xi32, #tpu.memory_space<hbm>>) target(%arg8 : memref<110x128xi32, #tpu.memory_space<vmem>>) target_semaphore(%run_scoped3A : memref<!tpu.dma_semaphore, #tpu.memory_space<semaphore_mem>>)
      %dma_wait3A = arith.constant 0 : i32
      %dma_wait3A_29 = arith.constant 0 : i32
      %dma_wait3A_30 = tpu.memref_slice %arg4[%add3A, %dma_wait3A, %dma_wait3A_29] : memref<32x110x128xi32, #tpu.memory_space<hbm>> -> memref<1x110x128xi32, #tpu.memory_space<hbm>>
      %dma_wait3A_31 = tpu.memref_squeeze %dma_wait3A_30 : memref<1x110x128xi32, #tpu.memory_space<hbm>> -> memref<110x128xi32, #tpu.memory_space<hbm>>
      %dma_wait3A_32 = arith.constant 0 : i32
      %dma_wait3A_33 = arith.constant 0 : i32
      %dma_wait3A_34 = tpu.memref_slice %arg4[%add3A, %dma_wait3A_32, %dma_wait3A_33] : memref<32x110x128xi32, #tpu.memory_space<hbm>> -> memref<1x110x128xi32, #tpu.memory_space<hbm>>
      %dma_wait3A_35 = tpu.memref_squeeze %dma_wait3A_34 : memref<1x110x128xi32, #tpu.memory_space<hbm>> -> memref<110x128xi32, #tpu.memory_space<hbm>>
      tpu.wait_dma2 semaphore(%run_scoped3A : memref<!tpu.dma_semaphore, #tpu.memory_space<semaphore_mem>>) src(%dma_wait3A_35 : memref<110x128xi32, #tpu.memory_space<hbm>>) dst(%arg8 : memref<110x128xi32, #tpu.memory_space<vmem>>)
      tpu.yield
    }) : () -> ()
    %mul3A_4 = arith.constant 640 : i32
    %mul3A_5 = arith.muli %arg1, %mul3A_4 : i32
    "tpu.region"() ({
      %run_scoped3A = tpu.sem_alloc : memref<!tpu.dma_semaphore, #tpu.memory_space<semaphore_mem>>
      %dma_start3A = arith.constant 0 : i32
      %dma_start3A_22 = tpu.memref_slice %arg10[%mul3A_5, %dma_start3A] : memref<10240x128xf32, #tpu.memory_space<vmem_shared>> -> memref<640x128xf32, #tpu.memory_space<vmem_shared>>
      tpu.enqueue_dma source(%arg5 : memref<640x128xf32, #tpu.memory_space<hbm>>) target(%dma_start3A_22 : memref<640x128xf32, #tpu.memory_space<vmem_shared>>) target_semaphore(%run_scoped3A : memref<!tpu.dma_semaphore, #tpu.memory_space<semaphore_mem>>)
      %dma_wait3A = arith.constant 0 : i32
      %dma_wait3A_23 = tpu.memref_slice %arg10[%mul3A_5, %dma_wait3A] : memref<10240x128xf32, #tpu.memory_space<vmem_shared>> -> memref<640x128xf32, #tpu.memory_space<vmem_shared>>
      tpu.wait_dma2 semaphore(%run_scoped3A : memref<!tpu.dma_semaphore, #tpu.memory_space<semaphore_mem>>) src(%arg5 : memref<640x128xf32, #tpu.memory_space<hbm>>) dst(%dma_wait3A_23 : memref<640x128xf32, #tpu.memory_space<vmem_shared>>)
      tpu.yield
    }) : () -> ()
    %barrier3A = arith.constant 0 : index
    tpu.barrier barrier_id(%barrier3A)
    %while3A = arith.constant 0 : i32
    %while3A_6 = arith.constant 0 : i32
    %while3A_7 = arith.subi %select_n3A_3, %while3A : i32
    %while3A_8 = arith.addi %while3A, %while3A_7 : i32
    %while3A_9 = arith.constant 1 : i32
    %while3A_10 = arith.divsi %while3A_7, %while3A_9 : i32
    %while3A_11 = arith.muli %while3A_10, %while3A_9 : i32
    %while3A_12 = arith.addi %while3A, %while3A_11 : i32
    %while3A_13 = arith.constant 1 : i32
    %while3A_14 = scf.for %while3A_22 = %while3A to %while3A_12 step %while3A_13 iter_args(%while3A_23 = %while3A_6) -> (i32)  : i32 {
      %dma_start3A = arith.constant 0 : i32
      %dma_start3A_24 = tpu.memref_slice %arg7[%while3A_22, %dma_start3A] : memref<110x128xi32, #tpu.memory_space<vmem>> -> memref<1x128xi32, #tpu.memory_space<vmem>>
      %dma_start3A_25 = tpu.memref_squeeze %dma_start3A_24 : memref<1x128xi32, #tpu.memory_space<vmem>> -> memref<128xi32, #tpu.memory_space<vmem>>
      %dma_start3A_26 = arith.constant 0 : i32
      %dma_start3A_27 = arith.constant 0 : i32
      %dma_start3A_28 = tpu.memref_slice %arg2[%dma_start3A_26, %dma_start3A_27] : memref<10240x128xf32, #tpu.memory_space<hbm>> -> memref<10240x128xf32, #tpu.memory_space<hbm>>
      tpu.enqueue_indirect_dma source(%dma_start3A_28 : memref<10240x128xf32, #tpu.memory_space<hbm>>) target(%arg9 : memref<128x128xf32, #tpu.memory_space<vmem>>) offsets(%dma_start3A_25 : memref<128xi32, #tpu.memory_space<vmem>>) semaphore(%arg11 : memref<!tpu.dma_semaphore, #tpu.memory_space<semaphore_mem>>)
      %dma_wait3A = arith.constant 0 : i32
      %dma_wait3A_29 = tpu.memref_slice %arg7[%while3A_22, %dma_wait3A] : memref<110x128xi32, #tpu.memory_space<vmem>> -> memref<1x128xi32, #tpu.memory_space<vmem>>
      %dma_wait3A_30 = tpu.memref_squeeze %dma_wait3A_29 : memref<1x128xi32, #tpu.memory_space<vmem>> -> memref<128xi32, #tpu.memory_space<vmem>>
      %dma_wait3A_31 = arith.constant 0 : i32
      %dma_wait3A_32 = arith.constant 0 : i32
      %dma_wait3A_33 = tpu.memref_slice %arg2[%dma_wait3A_31, %dma_wait3A_32] : memref<10240x128xf32, #tpu.memory_space<hbm>> -> memref<10240x128xf32, #tpu.memory_space<hbm>>
      tpu.wait_indirect_dma semaphore(%arg11 : memref<!tpu.dma_semaphore, #tpu.memory_space<semaphore_mem>>) src(%dma_wait3A_33 : memref<10240x128xf32, #tpu.memory_space<hbm>>) dst(%arg9 : memref<128x128xf32, #tpu.memory_space<vmem>>)
      "tpu.region"() ({
        %run_scoped3A = tpu.sem_alloc : memref<!tpu.dma_semaphore, #tpu.memory_space<semaphore_mem>>
        %dma_start3A_35 = arith.constant 0 : i32
        %dma_start3A_36 = tpu.memref_slice %arg8[%while3A_22, %dma_start3A_35] : memref<110x128xi32, #tpu.memory_space<vmem>> -> memref<1x128xi32, #tpu.memory_space<vmem>>
        %dma_start3A_37 = tpu.memref_squeeze %dma_start3A_36 : memref<1x128xi32, #tpu.memory_space<vmem>> -> memref<128xi32, #tpu.memory_space<vmem>>
        %dma_start3A_38 = arith.constant 0 : i32
        %dma_start3A_39 = arith.constant 0 : i32
        %dma_start3A_40 = tpu.memref_slice %arg10[%dma_start3A_38, %dma_start3A_39] : memref<10240x128xf32, #tpu.memory_space<vmem_shared>> -> memref<10240x128xf32, #tpu.memory_space<vmem_shared>>
        tpu.enqueue_indirect_dma source(%arg9 : memref<128x128xf32, #tpu.memory_space<vmem>>) target(%dma_start3A_40 : memref<10240x128xf32, #tpu.memory_space<vmem_shared>>) offsets(%dma_start3A_37 : memref<128xi32, #tpu.memory_space<vmem>>) semaphore(%run_scoped3A : memref<!tpu.dma_semaphore, #tpu.memory_space<semaphore_mem>>) {add = true}
        %dma_wait3A_41 = arith.constant 0 : i32
        %dma_wait3A_42 = tpu.memref_slice %arg8[%while3A_22, %dma_wait3A_41] : memref<110x128xi32, #tpu.memory_space<vmem>> -> memref<1x128xi32, #tpu.memory_space<vmem>>
        %dma_wait3A_43 = tpu.memref_squeeze %dma_wait3A_42 : memref<1x128xi32, #tpu.memory_space<vmem>> -> memref<128xi32, #tpu.memory_space<vmem>>
        %dma_wait3A_44 = arith.constant 0 : i32
        %dma_wait3A_45 = arith.constant 0 : i32
        %dma_wait3A_46 = tpu.memref_slice %arg10[%dma_wait3A_44, %dma_wait3A_45] : memref<10240x128xf32, #tpu.memory_space<vmem_shared>> -> memref<10240x128xf32, #tpu.memory_space<vmem_shared>>
        tpu.wait_indirect_dma semaphore(%run_scoped3A : memref<!tpu.dma_semaphore, #tpu.memory_space<semaphore_mem>>) src(%arg9 : memref<128x128xf32, #tpu.memory_space<vmem>>) dst(%dma_wait3A_46 : memref<10240x128xf32, #tpu.memory_space<vmem_shared>>)
        tpu.yield
      }) : () -> ()
      %while3A_34 = arith.constant 0 : i32
      scf.yield %while3A_34 : i32
    }
    %while3A_15 = arith.constant 1 : i32
    %while3A_16 = scf.for %while3A_22 = %while3A_12 to %while3A_8 step %while3A_15 iter_args(%while3A_23 = %while3A_14) -> (i32)  : i32 {
      %dma_start3A = arith.constant 0 : i32
      %dma_start3A_24 = tpu.memref_slice %arg7[%while3A_22, %dma_start3A] : memref<110x128xi32, #tpu.memory_space<vmem>> -> memref<1x128xi32, #tpu.memory_space<vmem>>
      %dma_start3A_25 = tpu.memref_squeeze %dma_start3A_24 : memref<1x128xi32, #tpu.memory_space<vmem>> -> memref<128xi32, #tpu.memory_space<vmem>>
      %dma_start3A_26 = arith.constant 0 : i32
      %dma_start3A_27 = arith.constant 0 : i32
      %dma_start3A_28 = tpu.memref_slice %arg2[%dma_start3A_26, %dma_start3A_27] : memref<10240x128xf32, #tpu.memory_space<hbm>> -> memref<10240x128xf32, #tpu.memory_space<hbm>>
      tpu.enqueue_indirect_dma source(%dma_start3A_28 : memref<10240x128xf32, #tpu.memory_space<hbm>>) target(%arg9 : memref<128x128xf32, #tpu.memory_space<vmem>>) offsets(%dma_start3A_25 : memref<128xi32, #tpu.memory_space<vmem>>) semaphore(%arg11 : memref<!tpu.dma_semaphore, #tpu.memory_space<semaphore_mem>>)
      %dma_wait3A = arith.constant 0 : i32
      %dma_wait3A_29 = tpu.memref_slice %arg7[%while3A_22, %dma_wait3A] : memref<110x128xi32, #tpu.memory_space<vmem>> -> memref<1x128xi32, #tpu.memory_space<vmem>>
      %dma_wait3A_30 = tpu.memref_squeeze %dma_wait3A_29 : memref<1x128xi32, #tpu.memory_space<vmem>> -> memref<128xi32, #tpu.memory_space<vmem>>
      %dma_wait3A_31 = arith.constant 0 : i32
      %dma_wait3A_32 = arith.constant 0 : i32
      %dma_wait3A_33 = tpu.memref_slice %arg2[%dma_wait3A_31, %dma_wait3A_32] : memref<10240x128xf32, #tpu.memory_space<hbm>> -> memref<10240x128xf32, #tpu.memory_space<hbm>>
      tpu.wait_indirect_dma semaphore(%arg11 : memref<!tpu.dma_semaphore, #tpu.memory_space<semaphore_mem>>) src(%dma_wait3A_33 : memref<10240x128xf32, #tpu.memory_space<hbm>>) dst(%arg9 : memref<128x128xf32, #tpu.memory_space<vmem>>)
      "tpu.region"() ({
        %run_scoped3A = tpu.sem_alloc : memref<!tpu.dma_semaphore, #tpu.memory_space<semaphore_mem>>
        %dma_start3A_35 = arith.constant 0 : i32
        %dma_start3A_36 = tpu.memref_slice %arg8[%while3A_22, %dma_start3A_35] : memref<110x128xi32, #tpu.memory_space<vmem>> -> memref<1x128xi32, #tpu.memory_space<vmem>>
        %dma_start3A_37 = tpu.memref_squeeze %dma_start3A_36 : memref<1x128xi32, #tpu.memory_space<vmem>> -> memref<128xi32, #tpu.memory_space<vmem>>
        %dma_start3A_38 = arith.constant 0 : i32
        %dma_start3A_39 = arith.constant 0 : i32
        %dma_start3A_40 = tpu.memref_slice %arg10[%dma_start3A_38, %dma_start3A_39] : memref<10240x128xf32, #tpu.memory_space<vmem_shared>> -> memref<10240x128xf32, #tpu.memory_space<vmem_shared>>
        tpu.enqueue_indirect_dma source(%arg9 : memref<128x128xf32, #tpu.memory_space<vmem>>) target(%dma_start3A_40 : memref<10240x128xf32, #tpu.memory_space<vmem_shared>>) offsets(%dma_start3A_37 : memref<128xi32, #tpu.memory_space<vmem>>) semaphore(%run_scoped3A : memref<!tpu.dma_semaphore, #tpu.memory_space<semaphore_mem>>) {add = true}
        %dma_wait3A_41 = arith.constant 0 : i32
        %dma_wait3A_42 = tpu.memref_slice %arg8[%while3A_22, %dma_wait3A_41] : memref<110x128xi32, #tpu.memory_space<vmem>> -> memref<1x128xi32, #tpu.memory_space<vmem>>
        %dma_wait3A_43 = tpu.memref_squeeze %dma_wait3A_42 : memref<1x128xi32, #tpu.memory_space<vmem>> -> memref<128xi32, #tpu.memory_space<vmem>>
        %dma_wait3A_44 = arith.constant 0 : i32
        %dma_wait3A_45 = arith.constant 0 : i32
        %dma_wait3A_46 = tpu.memref_slice %arg10[%dma_wait3A_44, %dma_wait3A_45] : memref<10240x128xf32, #tpu.memory_space<vmem_shared>> -> memref<10240x128xf32, #tpu.memory_space<vmem_shared>>
        tpu.wait_indirect_dma semaphore(%run_scoped3A : memref<!tpu.dma_semaphore, #tpu.memory_space<semaphore_mem>>) src(%arg9 : memref<128x128xf32, #tpu.memory_space<vmem>>) dst(%dma_wait3A_46 : memref<10240x128xf32, #tpu.memory_space<vmem_shared>>)
        tpu.yield
      }) : () -> ()
      %while3A_34 = arith.constant 0 : i32
      scf.yield %while3A_34 : i32
    }
    %barrier3A_17 = arith.constant 0 : index
    tpu.barrier barrier_id(%barrier3A_17)
    %mul3A_18 = arith.constant 640 : i32
    %mul3A_19 = arith.muli %arg1, %mul3A_18 : i32
    %mul3A_20 = arith.constant 640 : i32
    %mul3A_21 = arith.muli %arg1, %mul3A_20 : i32
    "tpu.region"() ({
      %run_scoped3A = tpu.sem_alloc : memref<!tpu.dma_semaphore, #tpu.memory_space<semaphore_mem>>
      %dma_start3A = arith.constant 0 : i32
      %dma_start3A_22 = tpu.memref_slice %arg6[%arg0, %mul3A_21, %dma_start3A] : memref<2x10240x128xf32, #tpu.memory_space<hbm>> -> memref<1x640x128xf32, #tpu.memory_space<hbm>>
      %dma_start3A_23 = tpu.memref_squeeze %dma_start3A_22 : memref<1x640x128xf32, #tpu.memory_space<hbm>> -> memref<640x128xf32, #tpu.memory_space<hbm>>
      %dma_start3A_24 = arith.constant 0 : i32
      %dma_start3A_25 = tpu.memref_slice %arg10[%mul3A_19, %dma_start3A_24] : memref<10240x128xf32, #tpu.memory_space<vmem_shared>> -> memref<640x128xf32, #tpu.memory_space<vmem_shared>>
      tpu.enqueue_dma source(%dma_start3A_25 : memref<640x128xf32, #tpu.memory_space<vmem_shared>>) target(%dma_start3A_23 : memref<640x128xf32, #tpu.memory_space<hbm>>) target_semaphore(%run_scoped3A : memref<!tpu.dma_semaphore, #tpu.memory_space<semaphore_mem>>)
      %dma_wait3A = arith.constant 0 : i32
      %dma_wait3A_26 = tpu.memref_slice %arg6[%arg0, %mul3A_21, %dma_wait3A] : memref<2x10240x128xf32, #tpu.memory_space<hbm>> -> memref<1x640x128xf32, #tpu.memory_space<hbm>>
      %dma_wait3A_27 = tpu.memref_squeeze %dma_wait3A_26 : memref<1x640x128xf32, #tpu.memory_space<hbm>> -> memref<640x128xf32, #tpu.memory_space<hbm>>
      %dma_wait3A_28 = arith.constant 0 : i32
      %dma_wait3A_29 = tpu.memref_slice %arg10[%mul3A_19, %dma_wait3A_28] : memref<10240x128xf32, #tpu.memory_space<vmem_shared>> -> memref<640x128xf32, #tpu.memory_space<vmem_shared>>
      tpu.wait_dma2 semaphore(%run_scoped3A : memref<!tpu.dma_semaphore, #tpu.memory_space<semaphore_mem>>) src(%dma_wait3A_29 : memref<640x128xf32, #tpu.memory_space<vmem_shared>>) dst(%dma_wait3A_27 : memref<640x128xf32, #tpu.memory_space<hbm>>)
      tpu.yield
    }) : () -> ()
    return
  }
}

module attributes {stable_mosaic.version = 14 : i64} {
  func.func @_init_body(%arg0: i32, %arg1: memref<2048x128xf32, #tpu.memory_space<vmem>>, %arg2: memref<128x128xf32, #tpu.memory_space<vmem>>, %arg3: memref<1x128xf32, #tpu.memory_space<vmem>>, %arg4: memref<2048x1xf32, #tpu.memory_space<vmem>>, %arg5: memref<2048x1xf32, #tpu.memory_space<vmem>>, %arg6: memref<2048x128xf32, #tpu.memory_space<vmem>>, %arg7: memref<2048x128xf32, #tpu.memory_space<vmem>>, %arg8: memref<2048x1xf32, #tpu.memory_space<vmem>>) attributes {dimension_semantics = [#tpu.dimension_semantics<arbitrary>], iteration_bounds = array<i64: 5>, scalar_prefetch = 0 : i64, scratch_operands = 0 : i64, tpu.core_type = #tpu.core_type<tc>, window_params = [{transform_indices = @transform_0, window_bounds = array<i64: 2048, 128>}, {pipeline_mode = #tpu.pipeline_mode<synchronous>, transform_indices = @transform_1, window_bounds = array<i64: 128, 128>}, {pipeline_mode = #tpu.pipeline_mode<synchronous>, transform_indices = @transform_2, window_bounds = array<i64: 1, 128>}, {transform_indices = @transform_3, window_bounds = array<i64: 2048, 1>}, {transform_indices = @transform_4, window_bounds = array<i64: 2048, 1>}, {transform_indices = @transform_5, window_bounds = array<i64: 2048, 128>}, {transform_indices = @transform_6, window_bounds = array<i64: 2048, 128>}, {transform_indices = @transform_7, window_bounds = array<i64: 2048, 1>}]} {
    %get3A = arith.constant 0 : index
    %get3A_0 = arith.constant 0 : index
    %get3A_1 = vector.load %arg1[%get3A, %get3A_0] : memref<2048x128xf32, #tpu.memory_space<vmem>>, vector<2048x128xf32>
    %get3A_2 = arith.constant 0 : index
    %get3A_3 = arith.constant 0 : index
    %get3A_4 = vector.load %arg2[%get3A_2, %get3A_3] : memref<128x128xf32, #tpu.memory_space<vmem>>, vector<128x128xf32>
    %dot_general3A = arith.constant dense<0.000000e+00> : vector<2048x128xf32>
    %dot_general3A_5 = tpu.matmul %get3A_1, %get3A_4, %dot_general3A {dimension_numbers = #tpu.dot_dimension_numbers<[1], [0], [0], [1], [0, 0, 1, 1], [], []>, transpose_lhs_hint = false} : vector<2048x128xf32>, vector<128x128xf32>, vector<2048x128xf32> -> vector<2048x128xf32>
    %get3A_6 = arith.constant 0 : index
    %get3A_7 = arith.constant 0 : index
    %get3A_8 = vector.load %arg3[%get3A_6, %get3A_7] : memref<1x128xf32, #tpu.memory_space<vmem>>, vector<1x128xf32>
    %add3A = vector.broadcast %get3A_8 : vector<1x128xf32> to vector<2048x128xf32>
    %add3A_9 = arith.addf %dot_general3A_5, %add3A : vector<2048x128xf32>
    %get3A_10 = arith.constant 0 : index
    %get3A_11 = arith.constant 0 : index
    %get3A_12 = vector.load %arg4[%get3A_10, %get3A_11] : memref<2048x1xf32, #tpu.memory_space<vmem>>, vector<2048x1xf32>
    %get3A_13 = arith.constant 0 : index
    %get3A_14 = arith.constant 0 : index
    %get3A_15 = vector.load %arg5[%get3A_13, %get3A_14] : memref<2048x1xf32, #tpu.memory_space<vmem>>, vector<2048x1xf32>
    %add3A_16 = arith.addf %get3A_12, %get3A_15 : vector<2048x1xf32>
    %add3A_17 = arith.constant 1.000000e+00 : f32
    %add3A_18 = vector.broadcast %add3A_17 : f32 to vector<2048x1xf32>
    %add3A_19 = arith.addf %add3A_16, %add3A_18 : vector<2048x1xf32>
    %rsqrt3A = math.rsqrt %add3A_19 : vector<2048x1xf32>
    %swap3A = arith.constant 0 : index
    %swap3A_20 = arith.constant 0 : index
    %swap3A_21 = vector.load %arg6[%swap3A, %swap3A_20] : memref<2048x128xf32, #tpu.memory_space<vmem>>, vector<2048x128xf32>
    tpu.vector_store %arg6[%swap3A, %swap3A_20], %add3A_9 {strides = array<i32>} : memref<2048x128xf32, #tpu.memory_space<vmem>>, vector<2048x128xf32>,
    %mul3A = vector.broadcast %rsqrt3A : vector<2048x1xf32> to vector<2048x128xf32>
    %mul3A_22 = arith.mulf %mul3A, %add3A_9 : vector<2048x128xf32>
    %swap3A_23 = arith.constant 0 : index
    %swap3A_24 = arith.constant 0 : index
    %swap3A_25 = vector.load %arg7[%swap3A_23, %swap3A_24] : memref<2048x128xf32, #tpu.memory_space<vmem>>, vector<2048x128xf32>
    tpu.vector_store %arg7[%swap3A_23, %swap3A_24], %mul3A_22 {strides = array<i32>} : memref<2048x128xf32, #tpu.memory_space<vmem>>, vector<2048x128xf32>,
    %swap3A_26 = arith.constant 0 : index
    %swap3A_27 = arith.constant 0 : index
    %swap3A_28 = vector.load %arg8[%swap3A_26, %swap3A_27] : memref<2048x1xf32, #tpu.memory_space<vmem>>, vector<2048x1xf32>
    tpu.vector_store %arg8[%swap3A_26, %swap3A_27], %rsqrt3A {strides = array<i32>} : memref<2048x1xf32, #tpu.memory_space<vmem>>, vector<2048x1xf32>,
    return
  }
  func.func @transform_0(%arg0: i32) -> (i32, i32) {
    %c0_i32 = arith.constant 0 : i32
    %c0_i32_0 = arith.constant 0 : i32
    return %arg0, %c0_i32 : i32, i32
  }
  func.func @transform_1(%arg0: i32) -> (i32, i32) {
    %c0_i32 = arith.constant 0 : i32
    %c0_i32_0 = arith.constant 0 : i32
    %c0_i32_1 = arith.constant 0 : i32
    return %c0_i32, %c0_i32_0 : i32, i32
  }
  func.func @transform_2(%arg0: i32) -> (i32, i32) {
    %c0_i32 = arith.constant 0 : i32
    %c0_i32_0 = arith.constant 0 : i32
    %c0_i32_1 = arith.constant 0 : i32
    return %c0_i32, %c0_i32_0 : i32, i32
  }
  func.func @transform_3(%arg0: i32) -> (i32, i32) {
    %c0_i32 = arith.constant 0 : i32
    %c0_i32_0 = arith.constant 0 : i32
    return %arg0, %c0_i32 : i32, i32
  }
  func.func @transform_4(%arg0: i32) -> (i32, i32) {
    %c0_i32 = arith.constant 0 : i32
    %c0_i32_0 = arith.constant 0 : i32
    return %arg0, %c0_i32 : i32, i32
  }
  func.func @transform_5(%arg0: i32) -> (i32, i32) {
    %c0_i32 = arith.constant 0 : i32
    %c0_i32_0 = arith.constant 0 : i32
    return %arg0, %c0_i32 : i32, i32
  }
  func.func @transform_6(%arg0: i32) -> (i32, i32) {
    %c0_i32 = arith.constant 0 : i32
    %c0_i32_0 = arith.constant 0 : i32
    return %arg0, %c0_i32 : i32, i32
  }
  func.func @transform_7(%arg0: i32) -> (i32, i32) {
    %c0_i32 = arith.constant 0 : i32
    %c0_i32_0 = arith.constant 0 : i32
    return %arg0, %c0_i32 : i32, i32
  }
}

module attributes {stable_mosaic.version = 14 : i64} {
  func.func @_layer_body(%arg0: i32, %arg1: memref<2048x128xf32, #tpu.memory_space<vmem>>, %arg2: memref<2048x128xf32, #tpu.memory_space<vmem>>, %arg3: memref<2048x128xf32, #tpu.memory_space<vmem>>, %arg4: memref<2048x128xf32, #tpu.memory_space<vmem>>, %arg5: memref<2048x1xf32, #tpu.memory_space<vmem>>, %arg6: memref<128x128xf32, #tpu.memory_space<vmem>>, %arg7: memref<2048x128xf32, #tpu.memory_space<vmem>>) attributes {dimension_semantics = [#tpu.dimension_semantics<arbitrary>], iteration_bounds = array<i64: 5>, scalar_prefetch = 0 : i64, scratch_operands = 0 : i64, tpu.core_type = #tpu.core_type<tc>, window_params = [{transform_indices = @transform_0, window_bounds = array<i64: 2048, 128>}, {transform_indices = @transform_1, window_bounds = array<i64: 2048, 128>}, {transform_indices = @transform_2, window_bounds = array<i64: 2048, 128>}, {transform_indices = @transform_3, window_bounds = array<i64: 2048, 128>}, {transform_indices = @transform_4, window_bounds = array<i64: 2048, 1>}, {pipeline_mode = #tpu.pipeline_mode<synchronous>, transform_indices = @transform_5, window_bounds = array<i64: 128, 128>}, {transform_indices = @transform_6, window_bounds = array<i64: 2048, 128>}]} {
    %get3A = arith.constant 0 : index
    %get3A_0 = arith.constant 0 : index
    %get3A_1 = vector.load %arg5[%get3A, %get3A_0] : memref<2048x1xf32, #tpu.memory_space<vmem>>, vector<2048x1xf32>
    %get3A_2 = arith.constant 0 : index
    %get3A_3 = arith.constant 0 : index
    %get3A_4 = vector.load %arg1[%get3A_2, %get3A_3] : memref<2048x128xf32, #tpu.memory_space<vmem>>, vector<2048x128xf32>
    %get3A_5 = arith.constant 0 : index
    %get3A_6 = arith.constant 0 : index
    %get3A_7 = vector.load %arg2[%get3A_5, %get3A_6] : memref<2048x128xf32, #tpu.memory_space<vmem>>, vector<2048x128xf32>
    %add3A = arith.addf %get3A_4, %get3A_7 : vector<2048x128xf32>
    %get3A_8 = arith.constant 0 : index
    %get3A_9 = arith.constant 0 : index
    %get3A_10 = vector.load %arg3[%get3A_8, %get3A_9] : memref<2048x128xf32, #tpu.memory_space<vmem>>, vector<2048x128xf32>
    %add3A_11 = arith.addf %add3A, %get3A_10 : vector<2048x128xf32>
    %mul3A = vector.broadcast %get3A_1 : vector<2048x1xf32> to vector<2048x128xf32>
    %mul3A_12 = arith.mulf %mul3A, %add3A_11 : vector<2048x128xf32>
    %mul3A_13 = arith.constant 0.899999976 : f32
    %mul3A_14 = vector.broadcast %mul3A_13 : f32 to vector<2048x128xf32>
    %mul3A_15 = arith.mulf %mul3A_14, %mul3A_12 : vector<2048x128xf32>
    %get3A_16 = arith.constant 0 : index
    %get3A_17 = arith.constant 0 : index
    %get3A_18 = vector.load %arg4[%get3A_16, %get3A_17] : memref<2048x128xf32, #tpu.memory_space<vmem>>, vector<2048x128xf32>
    %mul3A_19 = arith.constant 1.000000e-01 : f32
    %mul3A_20 = vector.broadcast %mul3A_19 : f32 to vector<2048x128xf32>
    %mul3A_21 = arith.mulf %mul3A_20, %get3A_18 : vector<2048x128xf32>
    %add3A_22 = arith.addf %mul3A_15, %mul3A_21 : vector<2048x128xf32>
    %mul3A_23 = arith.constant 0.594534874 : f32
    %mul3A_24 = vector.broadcast %mul3A_23 : f32 to vector<2048x128xf32>
    %mul3A_25 = arith.mulf %mul3A_24, %add3A_22 : vector<2048x128xf32>
    %get3A_26 = arith.constant 0 : index
    %get3A_27 = arith.constant 0 : index
    %get3A_28 = vector.load %arg6[%get3A_26, %get3A_27] : memref<128x128xf32, #tpu.memory_space<vmem>>, vector<128x128xf32>
    %dot_general3A = arith.constant dense<0.000000e+00> : vector<2048x128xf32>
    %dot_general3A_29 = tpu.matmul %add3A_22, %get3A_28, %dot_general3A {dimension_numbers = #tpu.dot_dimension_numbers<[1], [0], [0], [1], [0, 0, 1, 1], [], []>, transpose_lhs_hint = false} : vector<2048x128xf32>, vector<128x128xf32>, vector<2048x128xf32> -> vector<2048x128xf32>
    %mul3A_30 = arith.constant 0.405465096 : f32
    %mul3A_31 = vector.broadcast %mul3A_30 : f32 to vector<2048x128xf32>
    %mul3A_32 = arith.mulf %mul3A_31, %dot_general3A_29 : vector<2048x128xf32>
    %add3A_33 = arith.addf %mul3A_25, %mul3A_32 : vector<2048x128xf32>
    %max3A = arith.constant 0.000000e+00 : f32
    %max3A_34 = vector.broadcast %max3A : f32 to vector<2048x128xf32>
    %max3A_35 = arith.maximumf %add3A_33, %max3A_34 : vector<2048x128xf32>
    %mul3A_36 = vector.broadcast %get3A_1 : vector<2048x1xf32> to vector<2048x128xf32>
    %mul3A_37 = arith.mulf %mul3A_36, %max3A_35 : vector<2048x128xf32>
    %swap3A = arith.constant 0 : index
    %swap3A_38 = arith.constant 0 : index
    %swap3A_39 = vector.load %arg7[%swap3A, %swap3A_38] : memref<2048x128xf32, #tpu.memory_space<vmem>>, vector<2048x128xf32>
    tpu.vector_store %arg7[%swap3A, %swap3A_38], %mul3A_37 {strides = array<i32>} : memref<2048x128xf32, #tpu.memory_space<vmem>>, vector<2048x128xf32>,
    return
  }
  func.func @transform_0(%arg0: i32) -> (i32, i32) {
    %c0_i32 = arith.constant 0 : i32
    %c0_i32_0 = arith.constant 0 : i32
    return %arg0, %c0_i32 : i32, i32
  }
  func.func @transform_1(%arg0: i32) -> (i32, i32) {
    %c0_i32 = arith.constant 0 : i32
    %c0_i32_0 = arith.constant 0 : i32
    return %arg0, %c0_i32 : i32, i32
  }
  func.func @transform_2(%arg0: i32) -> (i32, i32) {
    %c0_i32 = arith.constant 0 : i32
    %c0_i32_0 = arith.constant 0 : i32
    return %arg0, %c0_i32 : i32, i32
  }
  func.func @transform_3(%arg0: i32) -> (i32, i32) {
    %c0_i32 = arith.constant 0 : i32
    %c0_i32_0 = arith.constant 0 : i32
    return %arg0, %c0_i32 : i32, i32
  }
  func.func @transform_4(%arg0: i32) -> (i32, i32) {
    %c0_i32 = arith.constant 0 : i32
    %c0_i32_0 = arith.constant 0 : i32
    return %arg0, %c0_i32 : i32, i32
  }
  func.func @transform_5(%arg0: i32) -> (i32, i32) {
    %c0_i32 = arith.constant 0 : i32
    %c0_i32_0 = arith.constant 0 : i32
    %c0_i32_1 = arith.constant 0 : i32
    return %c0_i32, %c0_i32_0 : i32, i32
  }
  func.func @transform_6(%arg0: i32) -> (i32, i32) {
    %c0_i32 = arith.constant 0 : i32
    %c0_i32_0 = arith.constant 0 : i32
    return %arg0, %c0_i32 : i32, i32
  }
}

module attributes {stable_mosaic.version = 14 : i64} {
  func.func @_layer_body(%arg0: i32, %arg1: memref<2048x128xf32, #tpu.memory_space<vmem>>, %arg2: memref<2048x128xf32, #tpu.memory_space<vmem>>, %arg3: memref<2048x128xf32, #tpu.memory_space<vmem>>, %arg4: memref<2048x128xf32, #tpu.memory_space<vmem>>, %arg5: memref<2048x1xf32, #tpu.memory_space<vmem>>, %arg6: memref<128x128xf32, #tpu.memory_space<vmem>>, %arg7: memref<2048x128xf32, #tpu.memory_space<vmem>>) attributes {dimension_semantics = [#tpu.dimension_semantics<arbitrary>], iteration_bounds = array<i64: 5>, scalar_prefetch = 0 : i64, scratch_operands = 0 : i64, tpu.core_type = #tpu.core_type<tc>, window_params = [{transform_indices = @transform_0, window_bounds = array<i64: 2048, 128>}, {transform_indices = @transform_1, window_bounds = array<i64: 2048, 128>}, {transform_indices = @transform_2, window_bounds = array<i64: 2048, 128>}, {transform_indices = @transform_3, window_bounds = array<i64: 2048, 128>}, {transform_indices = @transform_4, window_bounds = array<i64: 2048, 1>}, {pipeline_mode = #tpu.pipeline_mode<synchronous>, transform_indices = @transform_5, window_bounds = array<i64: 128, 128>}, {transform_indices = @transform_6, window_bounds = array<i64: 2048, 128>}]} {
    %get3A = arith.constant 0 : index
    %get3A_0 = arith.constant 0 : index
    %get3A_1 = vector.load %arg5[%get3A, %get3A_0] : memref<2048x1xf32, #tpu.memory_space<vmem>>, vector<2048x1xf32>
    %get3A_2 = arith.constant 0 : index
    %get3A_3 = arith.constant 0 : index
    %get3A_4 = vector.load %arg1[%get3A_2, %get3A_3] : memref<2048x128xf32, #tpu.memory_space<vmem>>, vector<2048x128xf32>
    %get3A_5 = arith.constant 0 : index
    %get3A_6 = arith.constant 0 : index
    %get3A_7 = vector.load %arg2[%get3A_5, %get3A_6] : memref<2048x128xf32, #tpu.memory_space<vmem>>, vector<2048x128xf32>
    %add3A = arith.addf %get3A_4, %get3A_7 : vector<2048x128xf32>
    %get3A_8 = arith.constant 0 : index
    %get3A_9 = arith.constant 0 : index
    %get3A_10 = vector.load %arg3[%get3A_8, %get3A_9] : memref<2048x128xf32, #tpu.memory_space<vmem>>, vector<2048x128xf32>
    %add3A_11 = arith.addf %add3A, %get3A_10 : vector<2048x128xf32>
    %mul3A = vector.broadcast %get3A_1 : vector<2048x1xf32> to vector<2048x128xf32>
    %mul3A_12 = arith.mulf %mul3A, %add3A_11 : vector<2048x128xf32>
    %mul3A_13 = arith.constant 0.899999976 : f32
    %mul3A_14 = vector.broadcast %mul3A_13 : f32 to vector<2048x128xf32>
    %mul3A_15 = arith.mulf %mul3A_14, %mul3A_12 : vector<2048x128xf32>
    %get3A_16 = arith.constant 0 : index
    %get3A_17 = arith.constant 0 : index
    %get3A_18 = vector.load %arg4[%get3A_16, %get3A_17] : memref<2048x128xf32, #tpu.memory_space<vmem>>, vector<2048x128xf32>
    %mul3A_19 = arith.constant 1.000000e-01 : f32
    %mul3A_20 = vector.broadcast %mul3A_19 : f32 to vector<2048x128xf32>
    %mul3A_21 = arith.mulf %mul3A_20, %get3A_18 : vector<2048x128xf32>
    %add3A_22 = arith.addf %mul3A_15, %mul3A_21 : vector<2048x128xf32>
    %mul3A_23 = arith.constant 0.776856422 : f32
    %mul3A_24 = vector.broadcast %mul3A_23 : f32 to vector<2048x128xf32>
    %mul3A_25 = arith.mulf %mul3A_24, %add3A_22 : vector<2048x128xf32>
    %get3A_26 = arith.constant 0 : index
    %get3A_27 = arith.constant 0 : index
    %get3A_28 = vector.load %arg6[%get3A_26, %get3A_27] : memref<128x128xf32, #tpu.memory_space<vmem>>, vector<128x128xf32>
    %dot_general3A = arith.constant dense<0.000000e+00> : vector<2048x128xf32>
    %dot_general3A_29 = tpu.matmul %add3A_22, %get3A_28, %dot_general3A {dimension_numbers = #tpu.dot_dimension_numbers<[1], [0], [0], [1], [0, 0, 1, 1], [], []>, transpose_lhs_hint = false} : vector<2048x128xf32>, vector<128x128xf32>, vector<2048x128xf32> -> vector<2048x128xf32>
    %mul3A_30 = arith.constant 0.223143548 : f32
    %mul3A_31 = vector.broadcast %mul3A_30 : f32 to vector<2048x128xf32>
    %mul3A_32 = arith.mulf %mul3A_31, %dot_general3A_29 : vector<2048x128xf32>
    %add3A_33 = arith.addf %mul3A_25, %mul3A_32 : vector<2048x128xf32>
    %max3A = arith.constant 0.000000e+00 : f32
    %max3A_34 = vector.broadcast %max3A : f32 to vector<2048x128xf32>
    %max3A_35 = arith.maximumf %add3A_33, %max3A_34 : vector<2048x128xf32>
    %mul3A_36 = vector.broadcast %get3A_1 : vector<2048x1xf32> to vector<2048x128xf32>
    %mul3A_37 = arith.mulf %mul3A_36, %max3A_35 : vector<2048x128xf32>
    %swap3A = arith.constant 0 : index
    %swap3A_38 = arith.constant 0 : index
    %swap3A_39 = vector.load %arg7[%swap3A, %swap3A_38] : memref<2048x128xf32, #tpu.memory_space<vmem>>, vector<2048x128xf32>
    tpu.vector_store %arg7[%swap3A, %swap3A_38], %mul3A_37 {strides = array<i32>} : memref<2048x128xf32, #tpu.memory_space<vmem>>, vector<2048x128xf32>,
    return
  }
  func.func @transform_0(%arg0: i32) -> (i32, i32) {
    %c0_i32 = arith.constant 0 : i32
    %c0_i32_0 = arith.constant 0 : i32
    return %arg0, %c0_i32 : i32, i32
  }
  func.func @transform_1(%arg0: i32) -> (i32, i32) {
    %c0_i32 = arith.constant 0 : i32
    %c0_i32_0 = arith.constant 0 : i32
    return %arg0, %c0_i32 : i32, i32
  }
  func.func @transform_2(%arg0: i32) -> (i32, i32) {
    %c0_i32 = arith.constant 0 : i32
    %c0_i32_0 = arith.constant 0 : i32
    return %arg0, %c0_i32 : i32, i32
  }
  func.func @transform_3(%arg0: i32) -> (i32, i32) {
    %c0_i32 = arith.constant 0 : i32
    %c0_i32_0 = arith.constant 0 : i32
    return %arg0, %c0_i32 : i32, i32
  }
  func.func @transform_4(%arg0: i32) -> (i32, i32) {
    %c0_i32 = arith.constant 0 : i32
    %c0_i32_0 = arith.constant 0 : i32
    return %arg0, %c0_i32 : i32, i32
  }
  func.func @transform_5(%arg0: i32) -> (i32, i32) {
    %c0_i32 = arith.constant 0 : i32
    %c0_i32_0 = arith.constant 0 : i32
    %c0_i32_1 = arith.constant 0 : i32
    return %c0_i32, %c0_i32_0 : i32, i32
  }
  func.func @transform_6(%arg0: i32) -> (i32, i32) {
    %c0_i32 = arith.constant 0 : i32
    %c0_i32_0 = arith.constant 0 : i32
    return %arg0, %c0_i32 : i32, i32
  }
}

module attributes {stable_mosaic.version = 14 : i64} {
  func.func @_layer_body(%arg0: i32, %arg1: memref<2048x128xf32, #tpu.memory_space<vmem>>, %arg2: memref<2048x128xf32, #tpu.memory_space<vmem>>, %arg3: memref<2048x128xf32, #tpu.memory_space<vmem>>, %arg4: memref<2048x128xf32, #tpu.memory_space<vmem>>, %arg5: memref<2048x1xf32, #tpu.memory_space<vmem>>, %arg6: memref<128x128xf32, #tpu.memory_space<vmem>>, %arg7: memref<2048x128xf32, #tpu.memory_space<vmem>>) attributes {dimension_semantics = [#tpu.dimension_semantics<arbitrary>], iteration_bounds = array<i64: 5>, scalar_prefetch = 0 : i64, scratch_operands = 0 : i64, tpu.core_type = #tpu.core_type<tc>, window_params = [{transform_indices = @transform_0, window_bounds = array<i64: 2048, 128>}, {transform_indices = @transform_1, window_bounds = array<i64: 2048, 128>}, {transform_indices = @transform_2, window_bounds = array<i64: 2048, 128>}, {transform_indices = @transform_3, window_bounds = array<i64: 2048, 128>}, {transform_indices = @transform_4, window_bounds = array<i64: 2048, 1>}, {pipeline_mode = #tpu.pipeline_mode<synchronous>, transform_indices = @transform_5, window_bounds = array<i64: 128, 128>}, {transform_indices = @transform_6, window_bounds = array<i64: 2048, 128>}]} {
    %get3A = arith.constant 0 : index
    %get3A_0 = arith.constant 0 : index
    %get3A_1 = vector.load %arg5[%get3A, %get3A_0] : memref<2048x1xf32, #tpu.memory_space<vmem>>, vector<2048x1xf32>
    %get3A_2 = arith.constant 0 : index
    %get3A_3 = arith.constant 0 : index
    %get3A_4 = vector.load %arg1[%get3A_2, %get3A_3] : memref<2048x128xf32, #tpu.memory_space<vmem>>, vector<2048x128xf32>
    %get3A_5 = arith.constant 0 : index
    %get3A_6 = arith.constant 0 : index
    %get3A_7 = vector.load %arg2[%get3A_5, %get3A_6] : memref<2048x128xf32, #tpu.memory_space<vmem>>, vector<2048x128xf32>
    %add3A = arith.addf %get3A_4, %get3A_7 : vector<2048x128xf32>
    %get3A_8 = arith.constant 0 : index
    %get3A_9 = arith.constant 0 : index
    %get3A_10 = vector.load %arg3[%get3A_8, %get3A_9] : memref<2048x128xf32, #tpu.memory_space<vmem>>, vector<2048x128xf32>
    %add3A_11 = arith.addf %add3A, %get3A_10 : vector<2048x128xf32>
    %mul3A = vector.broadcast %get3A_1 : vector<2048x1xf32> to vector<2048x128xf32>
    %mul3A_12 = arith.mulf %mul3A, %add3A_11 : vector<2048x128xf32>
    %mul3A_13 = arith.constant 0.899999976 : f32
    %mul3A_14 = vector.broadcast %mul3A_13 : f32 to vector<2048x128xf32>
    %mul3A_15 = arith.mulf %mul3A_14, %mul3A_12 : vector<2048x128xf32>
    %get3A_16 = arith.constant 0 : index
    %get3A_17 = arith.constant 0 : index
    %get3A_18 = vector.load %arg4[%get3A_16, %get3A_17] : memref<2048x128xf32, #tpu.memory_space<vmem>>, vector<2048x128xf32>
    %mul3A_19 = arith.constant 1.000000e-01 : f32
    %mul3A_20 = vector.broadcast %mul3A_19 : f32 to vector<2048x128xf32>
    %mul3A_21 = arith.mulf %mul3A_20, %get3A_18 : vector<2048x128xf32>
    %add3A_22 = arith.addf %mul3A_15, %mul3A_21 : vector<2048x128xf32>
    %mul3A_23 = arith.constant 0.845849335 : f32
    %mul3A_24 = vector.broadcast %mul3A_23 : f32 to vector<2048x128xf32>
    %mul3A_25 = arith.mulf %mul3A_24, %add3A_22 : vector<2048x128xf32>
    %get3A_26 = arith.constant 0 : index
    %get3A_27 = arith.constant 0 : index
    %get3A_28 = vector.load %arg6[%get3A_26, %get3A_27] : memref<128x128xf32, #tpu.memory_space<vmem>>, vector<128x128xf32>
    %dot_general3A = arith.constant dense<0.000000e+00> : vector<2048x128xf32>
    %dot_general3A_29 = tpu.matmul %add3A_22, %get3A_28, %dot_general3A {dimension_numbers = #tpu.dot_dimension_numbers<[1], [0], [0], [1], [0, 0, 1, 1], [], []>, transpose_lhs_hint = false} : vector<2048x128xf32>, vector<128x128xf32>, vector<2048x128xf32> -> vector<2048x128xf32>
    %mul3A_30 = arith.constant 0.15415068 : f32
    %mul3A_31 = vector.broadcast %mul3A_30 : f32 to vector<2048x128xf32>
    %mul3A_32 = arith.mulf %mul3A_31, %dot_general3A_29 : vector<2048x128xf32>
    %add3A_33 = arith.addf %mul3A_25, %mul3A_32 : vector<2048x128xf32>
    %max3A = arith.constant 0.000000e+00 : f32
    %max3A_34 = vector.broadcast %max3A : f32 to vector<2048x128xf32>
    %max3A_35 = arith.maximumf %add3A_33, %max3A_34 : vector<2048x128xf32>
    %mul3A_36 = vector.broadcast %get3A_1 : vector<2048x1xf32> to vector<2048x128xf32>
    %mul3A_37 = arith.mulf %mul3A_36, %max3A_35 : vector<2048x128xf32>
    %swap3A = arith.constant 0 : index
    %swap3A_38 = arith.constant 0 : index
    %swap3A_39 = vector.load %arg7[%swap3A, %swap3A_38] : memref<2048x128xf32, #tpu.memory_space<vmem>>, vector<2048x128xf32>
    tpu.vector_store %arg7[%swap3A, %swap3A_38], %mul3A_37 {strides = array<i32>} : memref<2048x128xf32, #tpu.memory_space<vmem>>, vector<2048x128xf32>,
    return
  }
  func.func @transform_0(%arg0: i32) -> (i32, i32) {
    %c0_i32 = arith.constant 0 : i32
    %c0_i32_0 = arith.constant 0 : i32
    return %arg0, %c0_i32 : i32, i32
  }
  func.func @transform_1(%arg0: i32) -> (i32, i32) {
    %c0_i32 = arith.constant 0 : i32
    %c0_i32_0 = arith.constant 0 : i32
    return %arg0, %c0_i32 : i32, i32
  }
  func.func @transform_2(%arg0: i32) -> (i32, i32) {
    %c0_i32 = arith.constant 0 : i32
    %c0_i32_0 = arith.constant 0 : i32
    return %arg0, %c0_i32 : i32, i32
  }
  func.func @transform_3(%arg0: i32) -> (i32, i32) {
    %c0_i32 = arith.constant 0 : i32
    %c0_i32_0 = arith.constant 0 : i32
    return %arg0, %c0_i32 : i32, i32
  }
  func.func @transform_4(%arg0: i32) -> (i32, i32) {
    %c0_i32 = arith.constant 0 : i32
    %c0_i32_0 = arith.constant 0 : i32
    return %arg0, %c0_i32 : i32, i32
  }
  func.func @transform_5(%arg0: i32) -> (i32, i32) {
    %c0_i32 = arith.constant 0 : i32
    %c0_i32_0 = arith.constant 0 : i32
    %c0_i32_1 = arith.constant 0 : i32
    return %c0_i32, %c0_i32_0 : i32, i32
  }
  func.func @transform_6(%arg0: i32) -> (i32, i32) {
    %c0_i32 = arith.constant 0 : i32
    %c0_i32_0 = arith.constant 0 : i32
    return %arg0, %c0_i32 : i32, i32
  }
}

module attributes {stable_mosaic.version = 14 : i64} {
  func.func @_final_body(%arg0: i32, %arg1: memref<2048x128xf32, #tpu.memory_space<vmem>>, %arg2: memref<2048x128xf32, #tpu.memory_space<vmem>>, %arg3: memref<2048x128xf32, #tpu.memory_space<vmem>>, %arg4: memref<2048x128xf32, #tpu.memory_space<vmem>>, %arg5: memref<2048x1xf32, #tpu.memory_space<vmem>>, %arg6: memref<128x128xf32, #tpu.memory_space<vmem>>, %arg7: memref<128x128xf32, #tpu.memory_space<vmem>>, %arg8: memref<1x128xf32, #tpu.memory_space<vmem>>, %arg9: memref<2048x128xf32, #tpu.memory_space<vmem>>) attributes {dimension_semantics = [#tpu.dimension_semantics<arbitrary>], iteration_bounds = array<i64: 5>, scalar_prefetch = 0 : i64, scratch_operands = 0 : i64, tpu.core_type = #tpu.core_type<tc>, window_params = [{transform_indices = @transform_0, window_bounds = array<i64: 2048, 128>}, {transform_indices = @transform_1, window_bounds = array<i64: 2048, 128>}, {transform_indices = @transform_2, window_bounds = array<i64: 2048, 128>}, {transform_indices = @transform_3, window_bounds = array<i64: 2048, 128>}, {transform_indices = @transform_4, window_bounds = array<i64: 2048, 1>}, {pipeline_mode = #tpu.pipeline_mode<synchronous>, transform_indices = @transform_5, window_bounds = array<i64: 128, 128>}, {pipeline_mode = #tpu.pipeline_mode<synchronous>, transform_indices = @transform_6, window_bounds = array<i64: 128, 128>}, {pipeline_mode = #tpu.pipeline_mode<synchronous>, transform_indices = @transform_7, window_bounds = array<i64: 1, 128>}, {transform_indices = @transform_8, window_bounds = array<i64: 2048, 128>}]} {
    %get3A = arith.constant 0 : index
    %get3A_0 = arith.constant 0 : index
    %get3A_1 = vector.load %arg5[%get3A, %get3A_0] : memref<2048x1xf32, #tpu.memory_space<vmem>>, vector<2048x1xf32>
    %get3A_2 = arith.constant 0 : index
    %get3A_3 = arith.constant 0 : index
    %get3A_4 = vector.load %arg1[%get3A_2, %get3A_3] : memref<2048x128xf32, #tpu.memory_space<vmem>>, vector<2048x128xf32>
    %get3A_5 = arith.constant 0 : index
    %get3A_6 = arith.constant 0 : index
    %get3A_7 = vector.load %arg2[%get3A_5, %get3A_6] : memref<2048x128xf32, #tpu.memory_space<vmem>>, vector<2048x128xf32>
    %add3A = arith.addf %get3A_4, %get3A_7 : vector<2048x128xf32>
    %get3A_8 = arith.constant 0 : index
    %get3A_9 = arith.constant 0 : index
    %get3A_10 = vector.load %arg3[%get3A_8, %get3A_9] : memref<2048x128xf32, #tpu.memory_space<vmem>>, vector<2048x128xf32>
    %add3A_11 = arith.addf %add3A, %get3A_10 : vector<2048x128xf32>
    %mul3A = vector.broadcast %get3A_1 : vector<2048x1xf32> to vector<2048x128xf32>
    %mul3A_12 = arith.mulf %mul3A, %add3A_11 : vector<2048x128xf32>
    %mul3A_13 = arith.constant 0.899999976 : f32
    %mul3A_14 = vector.broadcast %mul3A_13 : f32 to vector<2048x128xf32>
    %mul3A_15 = arith.mulf %mul3A_14, %mul3A_12 : vector<2048x128xf32>
    %get3A_16 = arith.constant 0 : index
    %get3A_17 = arith.constant 0 : index
    %get3A_18 = vector.load %arg4[%get3A_16, %get3A_17] : memref<2048x128xf32, #tpu.memory_space<vmem>>, vector<2048x128xf32>
    %mul3A_19 = arith.constant 1.000000e-01 : f32
    %mul3A_20 = vector.broadcast %mul3A_19 : f32 to vector<2048x128xf32>
    %mul3A_21 = arith.mulf %mul3A_20, %get3A_18 : vector<2048x128xf32>
    %add3A_22 = arith.addf %mul3A_15, %mul3A_21 : vector<2048x128xf32>
    %mul3A_23 = arith.constant 0.882216989 : f32
    %mul3A_24 = vector.broadcast %mul3A_23 : f32 to vector<2048x128xf32>
    %mul3A_25 = arith.mulf %mul3A_24, %add3A_22 : vector<2048x128xf32>
    %get3A_26 = arith.constant 0 : index
    %get3A_27 = arith.constant 0 : index
    %get3A_28 = vector.load %arg6[%get3A_26, %get3A_27] : memref<128x128xf32, #tpu.memory_space<vmem>>, vector<128x128xf32>
    %dot_general3A = arith.constant dense<0.000000e+00> : vector<2048x128xf32>
    %dot_general3A_29 = tpu.matmul %add3A_22, %get3A_28, %dot_general3A {dimension_numbers = #tpu.dot_dimension_numbers<[1], [0], [0], [1], [0, 0, 1, 1], [], []>, transpose_lhs_hint = false} : vector<2048x128xf32>, vector<128x128xf32>, vector<2048x128xf32> -> vector<2048x128xf32>
    %mul3A_30 = arith.constant 0.117783032 : f32
    %mul3A_31 = vector.broadcast %mul3A_30 : f32 to vector<2048x128xf32>
    %mul3A_32 = arith.mulf %mul3A_31, %dot_general3A_29 : vector<2048x128xf32>
    %add3A_33 = arith.addf %mul3A_25, %mul3A_32 : vector<2048x128xf32>
    %max3A = arith.constant 0.000000e+00 : f32
    %max3A_34 = vector.broadcast %max3A : f32 to vector<2048x128xf32>
    %max3A_35 = arith.maximumf %add3A_33, %max3A_34 : vector<2048x128xf32>
    %get3A_36 = arith.constant 0 : index
    %get3A_37 = arith.constant 0 : index
    %get3A_38 = vector.load %arg7[%get3A_36, %get3A_37] : memref<128x128xf32, #tpu.memory_space<vmem>>, vector<128x128xf32>
    %dot_general3A_39 = arith.constant dense<0.000000e+00> : vector<2048x128xf32>
    %dot_general3A_40 = tpu.matmul %max3A_35, %get3A_38, %dot_general3A_39 {dimension_numbers = #tpu.dot_dimension_numbers<[1], [0], [0], [1], [0, 0, 1, 1], [], []>, transpose_lhs_hint = false} : vector<2048x128xf32>, vector<128x128xf32>, vector<2048x128xf32> -> vector<2048x128xf32>
    %get3A_41 = arith.constant 0 : index
    %get3A_42 = arith.constant 0 : index
    %get3A_43 = vector.load %arg8[%get3A_41, %get3A_42] : memref<1x128xf32, #tpu.memory_space<vmem>>, vector<1x128xf32>
    %add3A_44 = vector.broadcast %get3A_43 : vector<1x128xf32> to vector<2048x128xf32>
    %add3A_45 = arith.addf %dot_general3A_40, %add3A_44 : vector<2048x128xf32>
    %swap3A = arith.constant 0 : index
    %swap3A_46 = arith.constant 0 : index
    %swap3A_47 = vector.load %arg9[%swap3A, %swap3A_46] : memref<2048x128xf32, #tpu.memory_space<vmem>>, vector<2048x128xf32>
    tpu.vector_store %arg9[%swap3A, %swap3A_46], %add3A_45 {strides = array<i32>} : memref<2048x128xf32, #tpu.memory_space<vmem>>, vector<2048x128xf32>,
    return
  }
  func.func @transform_0(%arg0: i32) -> (i32, i32) {
    %c0_i32 = arith.constant 0 : i32
    %c0_i32_0 = arith.constant 0 : i32
    return %arg0, %c0_i32 : i32, i32
  }
  func.func @transform_1(%arg0: i32) -> (i32, i32) {
    %c0_i32 = arith.constant 0 : i32
    %c0_i32_0 = arith.constant 0 : i32
    return %arg0, %c0_i32 : i32, i32
  }
  func.func @transform_2(%arg0: i32) -> (i32, i32) {
    %c0_i32 = arith.constant 0 : i32
    %c0_i32_0 = arith.constant 0 : i32
    return %arg0, %c0_i32 : i32, i32
  }
  func.func @transform_3(%arg0: i32) -> (i32, i32) {
    %c0_i32 = arith.constant 0 : i32
    %c0_i32_0 = arith.constant 0 : i32
    return %arg0, %c0_i32 : i32, i32
  }
  func.func @transform_4(%arg0: i32) -> (i32, i32) {
    %c0_i32 = arith.constant 0 : i32
    %c0_i32_0 = arith.constant 0 : i32
    return %arg0, %c0_i32 : i32, i32
  }
  func.func @transform_5(%arg0: i32) -> (i32, i32) {
    %c0_i32 = arith.constant 0 : i32
    %c0_i32_0 = arith.constant 0 : i32
    %c0_i32_1 = arith.constant 0 : i32
    return %c0_i32, %c0_i32_0 : i32, i32
  }
  func.func @transform_6(%arg0: i32) -> (i32, i32) {
    %c0_i32 = arith.constant 0 : i32
    %c0_i32_0 = arith.constant 0 : i32
    %c0_i32_1 = arith.constant 0 : i32
    return %c0_i32, %c0_i32_0 : i32, i32
  }
  func.func @transform_7(%arg0: i32) -> (i32, i32) {
    %c0_i32 = arith.constant 0 : i32
    %c0_i32_0 = arith.constant 0 : i32
    %c0_i32_1 = arith.constant 0 : i32
    return %c0_i32, %c0_i32_0 : i32, i32
  }
  func.func @transform_8(%arg0: i32) -> (i32, i32) {
    %c0_i32 = arith.constant 0 : i32
    %c0_i32_0 = arith.constant 0 : i32
    return %arg0, %c0_i32 : i32, i32
  }
}

</mosaic_0001>

<sc_bundles>
// kernel: kernel.12.cloned.1.call-start
scs
__scs_entry_jumppad:
0x0: {  	(pc) =	sbr.rel $0x88, $3  }
0x1: {  	(tag) =	ssettag $0x0;
	lr =	simm.s32 $0x1  }
0x2: {  	[smem:$0x3F9A] =	sst lr;
	_ =	strace $0xD0000000  }
0x3: {  	_ = 	snop  }
0x4: {  	_ = 	snop  }
0x5: {  	_ = 	snop  }
0x6: {  	_ = 	snop  }
0x7: {  	_ = 	snop  }
__scs_overlays_trampoline_lowered:
0x8: {  	[smem:$0x3FA9] =	sst s0  }
0x9: {  	[smem:$0x3FAA] =	sst s1  }
0xa: {  	[smem:$0x3FAB] =	sst s2  }
0xb: {  	[smem:$0x3FAC] =	sst s3  }
0xc: {  	[smem:$0x3FAD] =	sst s4  }
0xd: {  	[smem:$0x3FAE] =	sst s5  }
0xe: {  	[smem:$0x3FAF] =	sst s6  }
0xf: {  	[smem:$0x3FB0] =	sst s7  }
0x10: {  	[smem:$0x3FB1] =	sst s8  }
0x11: {  	[smem:$0x3FB2] =	sst s9;
	s0 =	simm.s32 @!p0 $0x0  }
0x12: {  	s1 =	sld [smem:$0x3F98];
	s0 =	simm.s32 @p0 $0x1  }
0x13: {  	[smem:$0x3FB3] =	sst s0;
	s0 =	simm.s32 @!p1 $0x0  }
0x14: {  	s2 =	sld [smem:$0x3F97];
	s0 =	simm.s32 @p1 $0x1  }
0x15: {  	[smem:$0x3FB4] =	sst s0;
	s0 =	simm.s32 @!p2 $0x0  }
0x16: {  	s3 =	sld [smem:$0x3FDB];
	s0 =	simm.s32 @p2 $0x1  }
0x17: {  	s4 =	simm.s32 $0x1BF5;
	[smem:$0x3FB6] =	sst s0  }
0x18: {  	s0 =	sld [smem:$0x3F99];
	_ =	swait.ge [sflag:s4], $0x0  }
0x19: {  	s7 =	sld [smem:$0x3F9A]  }
0x1a: {  	s8 =	sadd.s32 $0xFFFFE003, lr  }
0x1b: {  	s9 =	sadd.s32 $0xFFFFFEF7, lr;
	s5 =	simm.s32 $0xFFFFFFFF;
	p2 =	slt.u32 s8, $0xFFFFF086  }
0x1c: {  	p1 =	slt.u32 s9, $0xF7A;
	s5 =	simm.s32 @!p2 $0x0  }
0x1d: {  	s5 =	simm.s32 @p1 $0x1;
	p0 =	seq.s32 s7, s2  }
0x1e: {  	s7 =	smul.u32 @!p0 $0xF7A, s2;
	p2 =	seq.s32 @!p0 s5, $0x0  }
0x1f: {  	s9 =	smul.u32 $0xF7A, s1;
	s8 =	simm.s32 @!p0 $0x1BF5;
	p2 =	por !p2, p0  }
0x20: {  	[sflag:s8] =	ssyncset.s32 @!p0 $0xFFFFF086;
	s6 =	sadd.s32 @!p0 s3, s7;
	s7 =	simm.s32 @!p0 $0x108  }
0x21: {  	s3 =	sadd.s32 s3, s9;
	s6 =	sadd.s32 @!p0 $0x88, s6;
	s7 =	simm.s32 @p2 $0x1082  }
0x22: {  	[simem:s7], [sflag:s8] =	dma.local @!p0 [hbm:s6], $0xF7A  }
0x23: {  	s9 =	sor.u32 $0xD0000000, s2;
	s6 =	simm.s32 $0x108;
	_ =	swait.ge @!p0 [sflag:s8], $0x0  }
0x24: {  	s3 =	sadd.s32 $0x88, s3;
	s6 =	simm.s32 @!p1 $0x1082;
	[sflag:s4] =	ssyncset.s32 $0xFFFFF086  }
0x25: {  	[simem:s6], [sflag:s4] =	dma.local [hbm:s3], $0xF7A  }
0x26: {  	[smem:$0x3F9A] =	sst s1;
	(tag) =	ssettag s2;
	_ =	strace s9  }
0x27: {  	s1 =	sld [smem:$0x3FAA]  }
0x28: {  	s2 =	sld [smem:$0x3FAB]  }
0x29: {  	s4 =	sld [smem:$0x3FAD]  }
0x2a: {  	p0 =	seq.s32 s5, $0x0;
	s5 =	sld [smem:$0x3FAE]  }
0x2b: {  	s6 =	sld [smem:$0x3FAF]  }
0x2c: {  	s7 =	sld [smem:$0x3FB0]  }
0x2d: {  	s3 =	simm.s32 $0x108;
	s8 =	sld [smem:$0x3FB1]  }
0x2e: {  	s3 =	simm.s32 @!p0 $0x1082;
	s9 =	sld [smem:$0x3FB2]  }
0x2f: {  	lr =	sadd.s32 s0, s3;
	s0 =	sld [smem:$0x3FA9]  }
0x30: {  	s3 =	sld [smem:$0x3FAC]  }
0x31: {  	[smem:$0x3FB5] =	sst s10  }
0x32: {  	s10 =	sld [smem:$0x3FB3];
	_ =	sdelay $0x3  }
0x33: {  	p0 =	seq.s32 s10, $0x1;
	s10 =	sld [smem:$0x3FB5];
	_ =	sdelay $0x3  }
0x34: {  	[smem:$0x3FB5] =	sst s10  }
0x35: {  	s10 =	sld [smem:$0x3FB4];
	_ =	sdelay $0x3  }
0x36: {  	p1 =	seq.s32 s10, $0x1;
	s10 =	sld [smem:$0x3FB5];
	_ =	sdelay $0x3  }
0x37: {  	[smem:$0x3FB5] =	sst s10  }
0x38: {  	s10 =	sld [smem:$0x3FB6]  }
0x39: {  	_ = 	snop;
	(pc) =	sbr.ind lr, $3  }
0x3a: {  	_ = 	snop  }
0x3b: {  	_ = 	snop  }
0x3c: {  	p2 =	seq.s32 s10, $0x1;
	s10 =	sld [smem:$0x3FB5]  }
0x3d: {  	_ =	shalt  }
0x3e: {  	_ =	shalt  }
0x3f: {  	_ =	shalt  }
0x40: {  	_ =	shalt  }
0x41: {  	_ =	shalt  }
0x42: {  	_ =	shalt  }
0x43: {  	_ =	shalt  }
0x44: {  	_ =	shalt  }
0x45: {  	_ =	shalt  }
0x46: {  	_ =	shalt  }
0x47: {  	_ =	shalt  }
0x48: {  	_ =	shalt  }
0x49: {  	_ =	shalt  }
0x4a: {  	_ =	shalt  }
0x4b: {  	_ =	shalt  }
0x4c: {  	_ =	shalt  }
0x4d: {  	_ =	shalt  }
0x4e: {  	_ =	shalt  }
0x4f: {  	_ =	shalt  }
0x50: {  	_ =	shalt  }
0x51: {  	_ =	shalt  }
0x52: {  	_ =	shalt  }
0x53: {  	_ =	shalt  }
0x54: {  	_ =	shalt  }
0x55: {  	_ =	shalt  }
0x56: {  	_ =	shalt  }
0x57: {  	_ =	shalt  }
0x58: {  	_ =	shalt  }
0x59: {  	_ =	shalt  }
0x5a: {  	_ =	shalt  }
0x5b: {  	_ =	shalt  }
0x5c: {  	_ =	shalt  }
0x5d: {  	_ =	shalt  }
0x5e: {  	_ =	shalt  }
0x5f: {  	_ =	shalt  }
0x60: {  	_ =	shalt  }
0x61: {  	_ =	shalt  }
0x62: {  	_ =	shalt  }
0x63: {  	_ =	shalt  }
0x64: {  	_ =	shalt  }
0x65: {  	_ =	shalt  }
0x66: {  	_ =	shalt  }
0x67: {  	_ =	shalt  }
0x68: {  	_ =	shalt  }
0x69: {  	_ =	shalt  }
0x6a: {  	_ =	shalt  }
0x6b: {  	_ =	shalt  }
0x6c: {  	_ =	shalt  }
0x6d: {  	_ =	shalt  }
0x6e: {  	_ =	shalt  }
0x6f: {  	_ =	shalt  }
0x70: {  	_ =	shalt  }
0x71: {  	_ =	shalt  }
0x72: {  	_ =	shalt  }
0x73: {  	_ =	shalt  }
0x74: {  	_ =	shalt  }
0x75: {  	_ =	shalt  }
0x76: {  	_ =	shalt  }
0x77: {  	_ =	shalt  }
0x78: {  	_ =	shalt  }
0x79: {  	_ =	shalt  }
0x7a: {  	_ =	shalt  }
0x7b: {  	_ =	shalt  }
0x7c: {  	_ =	shalt  }
0x7d: {  	_ =	shalt  }
0x7e: {  	_ =	shalt  }
0x7f: {  	_ =	shalt  }
0x80: {  	_ =	shalt  }
0x81: {  	_ =	shalt  }
0x82: {  	_ =	shalt  }
0x83: {  	_ =	shalt  }
0x84: {  	_ =	shalt  }
0x85: {  	_ =	shalt  }
0x86: {  	_ =	shalt  }
0x87: {  	_ =	shalt  }
.Lfunc_end0:
.L_simem_size_0:
called_computation_lowered:
.L_overlay_start_0:
0x88: {  	s2 =	sld [smem:$0x3FD9]  }
0x89: {  	s3 =	sld [smem:$0x3FFE];
	_ =	sdelay $0x1  }
0x8a: {  	s1 =	srdreg.scid  }
0x8b: {  	s0 =	sand.u32 $0x1, s1  }
0x8c: {  	s17 =	sshll.u32 s0, $0xA;
	s2 =	sadd.s32 s3, s2  }
0x8d: {  	s2 =	sadd.s32 s2, s17  }
0x8e: {  	[smem:$0x3FC1] =	sst s2  }
0x8f: {  	_ = 	snop  }
0x90: {  	s2 =	sld [smem:$0x3FD0];
	(tm) =	ssettm $0x1  }
0x91: {  	s18 =	sld [smem:$0x3FFB];
	_ =	sdelay $0x3  }
0x92: {  	_ =	strace s18  }
0x93: {  	s3 =	sld [smem:$0x3FFC];
	_ =	sdelay $0x3  }
0x94: {  	_ =	strace s3  }
0x95: {  	s3 =	sld [smem:$0x3FFD];
	_ =	sdelay $0x3  }
0x96: {  	_ =	strace s3  }
0x97: {  	_ =	strace $0x8FFFFFFF  }
0x98: {  	s19 =	sld [smem:$0x3FDB];
	_ =	sdelay $0x1  }
0x99: {  	s4 =	simm.s32 $_scs_section_size  }
0x9a: {  	s5 =	simm.s32 $_size__tile_overlayer_lowered;
	s6 =	simm.s32 $_tile_overlayer_lowered  }
0x9b: {  	s22 =	simm.s32 $0x1BFF;
	s21 =	sshll.u32 s6, $0x1;
	s3 =	sadd.s32 s4, s19  }
0x9c: {  	s7 =	simm.s32 $0x0;
	s20 =	sshll.u32 s5, $0x1;
	s5 =	sadd.s32 s21, s3  }
0x9d: {  	[timem:s7], [sflag:s22] =	dma.local [hbm:s5], s20  }
0x9e: {  	_ =	swait.ge [sflag:s22], s20  }
0x9f: {  	s4 =	ssub.s32 $0x0, s20;
	[sflag:s22] =	ssyncset.done $0x0  }
0xa0: {  	[sflag:s22] =	ssyncadd.s32 s4;
	_ =	sdelay $0x1  }
0xa1: {  	s23 =	simm.s32 $0x1B8B  }
0xa2: {  	_ =	swait.ge [sflag:s23], $0x1  }
0xa3: {  	[sflag:s23] =	ssyncset.done $0x0  }
0xa4: {  	s25 =	simm.s32 $0x1B8E;
	s24 =	sld [smem:$0x3FFE];
	[sflag:s23] =	ssyncadd.s32 $0xFFFFFFFF  }
0xa5: {  	s26 =	simm.s32 $execute0_lowered;
	[smem:$0x3FD2] =	sst s25  }
0xa6: {  	s5 =	sshll.u32 s26, $0x1;
	_ =	strace $0x80000046;
	[dreg:$0x1] =	wrdreg $0xFFFFFFFF  }
0xa7: {  	s28 =	simm.s32 $_size_execute0_lowered;
	s3 =	sadd.s32 s3, s5;
	[dreg:$0x0] =	wrdreg $0x0  }
0xa8: {  	s5 =	sshll.u32 s28, $0x1;
	[dreg:$0x2] =	wrdreg s3  }
0xa9: {  	[dreg:$0x3] =	wrdreg s5  }
0xaa: {  	[dreg:$0x4] =	wrdreg $0xC0  }
0xab: {  	_ =	task [dreg:s7], $0x5FFFF  }
0xac: {  	[dreg:$0x1] =	wrdreg $0xFFFFFFFF  }
0xad: {  	[dreg:$0x0] =	wrdreg $0x60  }
0xae: {  	[dreg:$0x2] =	wrdreg s2  }
0xaf: {  	[dreg:$0x3] =	wrdreg s24  }
0xb0: {  	[dreg:$0x4] =	wrdreg $0x38800  }
0xb1: {  	[dreg:$0x5] =	wrdreg $0x9  }
0xb2: {  	_ =	task.clear_ibuf [dreg:s7], $0x6FFFF;
	_ =	strace $0x90000046  }
0xb3: {  	s29 =	simm.s32 $0x9;
	_ =	strace $0x80000048  }
0xb4: {  	_ =	swait.ge [sflag:s29], $0x1  }
0xb5: {  	[sflag:s29] =	ssyncadd.s32 $0xFFFFFFFF  }
0xb6: {  	_ =	strace $0x90000048  }
0xb7: {  	_ =	sfence  }
0xb8: {  	s30 =	sld [smem:$0x0];
	_ =	sdelay $0x2  }
0xb9: {  	s31 =	sshll.u32 s1, $0xD;
	s1 =	sshrl.u32 s1, $0x2  }
0xba: {  	s3 =	sand.u32 $0x4000, s31;
	s1 =	sadd.s32 s1, s30  }
0xbb: {  	s0 =	sor.u32 s3, s0;
	s1 =	sshll.u32 s1, $0x11  }
0xbc: {  	s0 =	sor.u32 s1, s0  }
0xbd: {  	s0 =	sadd.s32 $0x8F2B, s0  }
0xbe: {  	[sflag:s0] =	ssyncadd.remote.s32 $0x1  }
0xbf: {  	_ =	sfence.sel $0xFFFF  }
0xc0: {  	[dreg:$0x0] =	wrdreg $0xFFFFFFFF;
	(pc) =	sbr.abs _section_cstart, $3  }
0xc1: {  	[dreg:$0x1] =	wrdreg $0xFFFFFFFF  }
0xc2: {  	_ =	task.clear_ibuf [dreg:s7], $0x2FFFF;
	_ =	strace $0x9FFFFFFF  }
0xc3: {  	(tm) =	ssettm $0x7FFFFFFF  }
tec
execute0_lowered:
.L_overlay_start_1:
0x0: {  	(tag) =	ssettag $0x1  }
0x1: {  	s6 =	rddreg [dreg:$0x0]  }
0x2: {  	s5 =	rddreg [dreg:$0x1]  }
0x3: {  	s2 =	rddreg [dreg:$0x2]  }
0x4: {  	s0 =	rddreg [dreg:$0x3]  }
0x5: {  	s4 =	srdreg.scid;
	s1 =	stileid.u32  }
0x6: {  	s3 =	simm.s32 $0x0;
	s13 =	simm.s32 $0x3800;
	s14 =	simm.s32 $0x0  }
0x7: {  	s7 =	sand.u32 $0x1, s4;
	s8 =	smul.u32 $0x280, s1;
	[smem:$0x7FF] =	sst s3  }
0x8: {  	s4 =	sadd.s32 $0x5400, s5;
	s31 =	sshll.u32 s1, $0x6;
	s9 =	smul.u32 $0x2800, s7  }
0x9: {  	_ =	strace $0x80000047;
	s10 =	sshll.u32 s7, $0x4;
	s11 =	ssub.s32 $0x2, s7  }
0xa: {  	p0 =	seq.s32 s7, $0x0;
	s10 =	sor.u32 s1, s10;
	s30 =	sshrl.u32 s11, $0x1  }
0xb: {  	s12 =	sadd.s32 s8, s2;
	s9 =	sadd.s32 s8, s9;
	s11 =	ssub.s32 s11, s30  }
0xc: {  	s10 =	smul.u32 $0x700, s10;
	s9 =	sshrl.u32 s9, $0x3;
	s8 =	smax.u32 s11, $0x1  }
0xd: {  	s11 =	sshrl.u32 s12, $0x3;
	s12 =	simm.s32 $0x80;
	s9 =	sadd.s32 s9, s5  }
0xe: {  	s5 =	simm.s32 $0x6E;
	s6 =	sadd.s32 s6, s10;
	s10 =	sor.u32 $0x1C01, s31  }
0xf: {  	v0 =	vimm.f32 $1.000000000e+00;
	s5 =	simm.s32 @!p0 $0x30;
	s7 =	sadd.s32 $0x5600, s9;
	s9 =	simm.s32 $0x1  }
.LBB2_1:
0x10: {  	[tilespmem:s3], [sflag:$0x1] =	stream.linear.gather [hbm4b:s6+s3], $0x3700, $0x38;
	[tilespmem:$0x3B00] =	vst v63  }
0x11: {  	_ =	swait.ge [sflag:s9], $0x3700  }
0x12: {  	[sflag:s9] =	ssyncset.done $0x0  }
0x13: {  	[sflag:s9] =	ssyncadd.s32 $0xFFFFC900  }
0x14: {  	[tilespmem:$0x3800] =	vst v0  }
0x15: {  	[tilespmem:$0x3810] =	vst v0  }
0x16: {  	[tilespmem:$0x3820] =	vst v0  }
0x17: {  	[tilespmem:$0x3830] =	vst v0  }
0x18: {  	[tilespmem:$0x3840] =	vst v0  }
0x19: {  	[tilespmem:$0x3850] =	vst v0  }
0x1a: {  	[tilespmem:$0x3860] =	vst v0  }
0x1b: {  	[tilespmem:$0x3870] =	vst v0  }
0x1c: {  	[spmem:s11], [sflag:s10] =	dma.local [hbm:s4], $0x50  }
0x1d: {  	_ =	swait.ge [sflag:s9], $0x50  }
0x1e: {  	p0 =	sne.s32 s5, $0x1;
	[sflag:s9] =	ssyncset.done $0x0  }
.Ltmp0:
0x1f: {  	[sflag:s9] =	ssyncadd.s32 $0xFFFFFFB0;
	(pc) =	sbr.rel @!p0 .LBB2_3-.Ltmp0, $4  }
0x20: {  	[bflag:$0x0] =	sbarrier.arrive $0xFFFF  }
0x21: {  	[spmem:s2] =	stream.indirect.scatter.add.f32 [tilespmem:s13], [sflag:$0x1], $0x1, s3, s12, $0xb8;
	[tilespmem:$0x3B00] =	vst v63  }
0x22: {  	_ =	swait.ge [sflag:s9], $0x80  }
0x23: {  	s15 =	sadd.s32 $0xFFFFFFFF, s5;
	s16 =	simm.s32 $0x0;
	[sflag:s9] =	ssyncset.done $0x0  }
.LBB2_2:
0x24: {  	p0 =	sne.s32 s15, $0x1;
	[sflag:s9] =	ssyncadd.s32 $0xFFFFFF80;
	s16 =	sadd.s32 $0x80, s16  }
.Ltmp1:
0x25: {  	s15 =	sadd.s32 $0xFFFFFFFF, s15;
	(pc) =	sbr.rel @p0 .LBB2_2-.Ltmp1, $4  }
0x26: {  	_ = 	snop  }
0x27: {  	[spmem:s2] =	stream.indirect.scatter.add.f32 [tilespmem:s13], [sflag:$0x1], $0x1, s16, s12, $0xb8;
	[tilespmem:$0x3B00] =	vst v63  }
0x28: {  	_ =	swait.ge [sflag:s9], $0x80  }
0x29: {  	[sflag:s9] =	ssyncset.done $0x0  }
.LBB2_3:
0x2a: {  	s14 =	sadd.s32 $0x1, s14  }
0x2b: {  	[sflag:s9] =	ssyncadd.s32 $0xFFFFFF80;
	p0 =	sne.s32 s14, s8  }
.Ltmp2:
0x2c: {  	[bflag:$0x0] =	sbarrier.arrive $0xFFFF;
	(pc) =	sbr.rel @p0 .LBB2_1-.Ltmp2, $4  }
0x2d: {  	[hbm:s7], [sflag:s10] =	dma.local [spmem:s11], $0x50  }
0x2e: {  	_ =	swait.ge [sflag:s9], $0x50  }
0x2f: {  	[sflag:s9] =	ssyncset.done $0x0  }
0x30: {  	[sflag:s9] =	ssyncadd.s32 $0xFFFFFFB0  }
0x31: {  	_ =	sfence.sel $0x180000  }
0x32: {  	[bflag:$0x0] =	sbarrier.arrive $0xFFFF  }
0x33: {  	p0 =	sne.s32 s1, $0x0;
	_ =	strace $0x90000047  }
0x34: {  	s0 =	sadd.s32 @!p0 $0x100000, s0;
	[bflag:$0x2] =	sbarrier.arrive $0xFFFF  }
0x35: {  	[sflag:s0] =	ssyncadd.tile.s32 @!p0 $0x1;
	_ =	shalt  }
.Lfunc_end2:
_tile_overlayer_lowered:
.L_overlay_start_2:
0x36: {  	(tag) =	ssettag $0x2  }
0x37: {  	s0 =	rddreg [dreg:$0x0];
	s2 =	stileid.u32  }
0x38: {  	s1 =	rddreg [dreg:$0x1];
	p0 =	sne.s32 s2, $0x0  }
0x39: {  	s3 =	rddreg [dreg:$0x2];
	[bflag:$0x3] =	sbarrier.arrive $0xFFFF;
	s2 =	simm.s32 @!p0 $0x1C01  }
0x3a: {  	[timem:s3], [sflag:s2] =	dma.local @!p0 [hbm:s0], s1  }
0x3b: {  	s0 =	simm.s32 @!p0 $0x1  }
0x3c: {  	_ =	swait.ge @!p0 [sflag:s0], s1  }
0x3d: {  	s1 =	ssub.s32 @!p0 $0x0, s1;
	[sflag:s0] =	ssyncset.done @!p0 $0x0  }
0x3e: {  	[sflag:s0] =	ssyncadd.s32 @!p0 s1  }
0x3f: {  	[bflag:$0x3] =	sbarrier.arrive $0xFFFF  }
0x40: {  	_ =	shalt  }

// kernel: kernel.15.cloned.1.call-start
scs
__scs_entry_jumppad:
0x0: {  	(pc) =	sbr.rel $0x88, $3  }
0x1: {  	(tag) =	ssettag $0x0;
	lr =	simm.s32 $0x1  }
0x2: {  	[smem:$0x3F9A] =	sst lr;
	_ =	strace $0xD0000000  }
0x3: {  	_ = 	snop  }
0x4: {  	_ = 	snop  }
0x5: {  	_ = 	snop  }
0x6: {  	_ = 	snop  }
0x7: {  	_ = 	snop  }
__scs_overlays_trampoline_lowered:
0x8: {  	[smem:$0x3FA9] =	sst s0  }
0x9: {  	[smem:$0x3FAA] =	sst s1  }
0xa: {  	[smem:$0x3FAB] =	sst s2  }
0xb: {  	[smem:$0x3FAC] =	sst s3  }
0xc: {  	[smem:$0x3FAD] =	sst s4  }
0xd: {  	[smem:$0x3FAE] =	sst s5  }
0xe: {  	[smem:$0x3FAF] =	sst s6  }
0xf: {  	[smem:$0x3FB0] =	sst s7  }
0x10: {  	[smem:$0x3FB1] =	sst s8  }
0x11: {  	[smem:$0x3FB2] =	sst s9;
	s0 =	simm.s32 @!p0 $0x0  }
0x12: {  	s1 =	sld [smem:$0x3F98];
	s0 =	simm.s32 @p0 $0x1  }
0x13: {  	[smem:$0x3FB3] =	sst s0;
	s0 =	simm.s32 @!p1 $0x0  }
0x14: {  	s2 =	sld [smem:$0x3F97];
	s0 =	simm.s32 @p1 $0x1  }
0x15: {  	[smem:$0x3FB4] =	sst s0;
	s0 =	simm.s32 @!p2 $0x0  }
0x16: {  	s3 =	sld [smem:$0x3FDB];
	s0 =	simm.s32 @p2 $0x1  }
0x17: {  	s4 =	simm.s32 $0x1BF5;
	[smem:$0x3FB6] =	sst s0  }
0x18: {  	s0 =	sld [smem:$0x3F99];
	_ =	swait.ge [sflag:s4], $0x0  }
0x19: {  	s7 =	sld [smem:$0x3F9A]  }
0x1a: {  	s8 =	sadd.s32 $0xFFFFE003, lr  }
0x1b: {  	s9 =	sadd.s32 $0xFFFFFEF7, lr;
	s5 =	simm.s32 $0xFFFFFFFF;
	p2 =	slt.u32 s8, $0xFFFFF086  }
0x1c: {  	p1 =	slt.u32 s9, $0xF7A;
	s5 =	simm.s32 @!p2 $0x0  }
0x1d: {  	s5 =	simm.s32 @p1 $0x1;
	p0 =	seq.s32 s7, s2  }
0x1e: {  	s7 =	smul.u32 @!p0 $0xF7A, s2;
	p2 =	seq.s32 @!p0 s5, $0x0  }
0x1f: {  	s9 =	smul.u32 $0xF7A, s1;
	s8 =	simm.s32 @!p0 $0x1BF5;
	p2 =	por !p2, p0  }
0x20: {  	[sflag:s8] =	ssyncset.s32 @!p0 $0xFFFFF086;
	s6 =	sadd.s32 @!p0 s3, s7;
	s7 =	simm.s32 @!p0 $0x108  }
0x21: {  	s3 =	sadd.s32 s3, s9;
	s6 =	sadd.s32 @!p0 $0x88, s6;
	s7 =	simm.s32 @p2 $0x1082  }
0x22: {  	[simem:s7], [sflag:s8] =	dma.local @!p0 [hbm:s6], $0xF7A  }
0x23: {  	s9 =	sor.u32 $0xD0000000, s2;
	s6 =	simm.s32 $0x108;
	_ =	swait.ge @!p0 [sflag:s8], $0x0  }
0x24: {  	s3 =	sadd.s32 $0x88, s3;
	s6 =	simm.s32 @!p1 $0x1082;
	[sflag:s4] =	ssyncset.s32 $0xFFFFF086  }
0x25: {  	[simem:s6], [sflag:s4] =	dma.local [hbm:s3], $0xF7A  }
0x26: {  	[smem:$0x3F9A] =	sst s1;
	(tag) =	ssettag s2;
	_ =	strace s9  }
0x27: {  	s1 =	sld [smem:$0x3FAA]  }
0x28: {  	s2 =	sld [smem:$0x3FAB]  }
0x29: {  	s4 =	sld [smem:$0x3FAD]  }
0x2a: {  	p0 =	seq.s32 s5, $0x0;
	s5 =	sld [smem:$0x3FAE]  }
0x2b: {  	s6 =	sld [smem:$0x3FAF]  }
0x2c: {  	s7 =	sld [smem:$0x3FB0]  }
0x2d: {  	s3 =	simm.s32 $0x108;
	s8 =	sld [smem:$0x3FB1]  }
0x2e: {  	s3 =	simm.s32 @!p0 $0x1082;
	s9 =	sld [smem:$0x3FB2]  }
0x2f: {  	lr =	sadd.s32 s0, s3;
	s0 =	sld [smem:$0x3FA9]  }
0x30: {  	s3 =	sld [smem:$0x3FAC]  }
0x31: {  	[smem:$0x3FB5] =	sst s10  }
0x32: {  	s10 =	sld [smem:$0x3FB3];
	_ =	sdelay $0x3  }
0x33: {  	p0 =	seq.s32 s10, $0x1;
	s10 =	sld [smem:$0x3FB5];
	_ =	sdelay $0x3  }
0x34: {  	[smem:$0x3FB5] =	sst s10  }
0x35: {  	s10 =	sld [smem:$0x3FB4];
	_ =	sdelay $0x3  }
0x36: {  	p1 =	seq.s32 s10, $0x1;
	s10 =	sld [smem:$0x3FB5];
	_ =	sdelay $0x3  }
0x37: {  	[smem:$0x3FB5] =	sst s10  }
0x38: {  	s10 =	sld [smem:$0x3FB6]  }
0x39: {  	_ = 	snop;
	(pc) =	sbr.ind lr, $3  }
0x3a: {  	_ = 	snop  }
0x3b: {  	_ = 	snop  }
0x3c: {  	p2 =	seq.s32 s10, $0x1;
	s10 =	sld [smem:$0x3FB5]  }
0x3d: {  	_ =	shalt  }
0x3e: {  	_ =	shalt  }
0x3f: {  	_ =	shalt  }
0x40: {  	_ =	shalt  }
0x41: {  	_ =	shalt  }
0x42: {  	_ =	shalt  }
0x43: {  	_ =	shalt  }
0x44: {  	_ =	shalt  }
0x45: {  	_ =	shalt  }
0x46: {  	_ =	shalt  }
0x47: {  	_ =	shalt  }
0x48: {  	_ =	shalt  }
0x49: {  	_ =	shalt  }
0x4a: {  	_ =	shalt  }
0x4b: {  	_ =	shalt  }
0x4c: {  	_ =	shalt  }
0x4d: {  	_ =	shalt  }
0x4e: {  	_ =	shalt  }
0x4f: {  	_ =	shalt  }
0x50: {  	_ =	shalt  }
0x51: {  	_ =	shalt  }
0x52: {  	_ =	shalt  }
0x53: {  	_ =	shalt  }
0x54: {  	_ =	shalt  }
0x55: {  	_ =	shalt  }
0x56: {  	_ =	shalt  }
0x57: {  	_ =	shalt  }
0x58: {  	_ =	shalt  }
0x59: {  	_ =	shalt  }
0x5a: {  	_ =	shalt  }
0x5b: {  	_ =	shalt  }
0x5c: {  	_ =	shalt  }
0x5d: {  	_ =	shalt  }
0x5e: {  	_ =	shalt  }
0x5f: {  	_ =	shalt  }
0x60: {  	_ =	shalt  }
0x61: {  	_ =	shalt  }
0x62: {  	_ =	shalt  }
0x63: {  	_ =	shalt  }
0x64: {  	_ =	shalt  }
0x65: {  	_ =	shalt  }
0x66: {  	_ =	shalt  }
0x67: {  	_ =	shalt  }
0x68: {  	_ =	shalt  }
0x69: {  	_ =	shalt  }
0x6a: {  	_ =	shalt  }
0x6b: {  	_ =	shalt  }
0x6c: {  	_ =	shalt  }
0x6d: {  	_ =	shalt  }
0x6e: {  	_ =	shalt  }
0x6f: {  	_ =	shalt  }
0x70: {  	_ =	shalt  }
0x71: {  	_ =	shalt  }
0x72: {  	_ =	shalt  }
0x73: {  	_ =	shalt  }
0x74: {  	_ =	shalt  }
0x75: {  	_ =	shalt  }
0x76: {  	_ =	shalt  }
0x77: {  	_ =	shalt  }
0x78: {  	_ =	shalt  }
0x79: {  	_ =	shalt  }
0x7a: {  	_ =	shalt  }
0x7b: {  	_ =	shalt  }
0x7c: {  	_ =	shalt  }
0x7d: {  	_ =	shalt  }
0x7e: {  	_ =	shalt  }
0x7f: {  	_ =	shalt  }
0x80: {  	_ =	shalt  }
0x81: {  	_ =	shalt  }
0x82: {  	_ =	shalt  }
0x83: {  	_ =	shalt  }
0x84: {  	_ =	shalt  }
0x85: {  	_ =	shalt  }
0x86: {  	_ =	shalt  }
0x87: {  	_ =	shalt  }
.Lfunc_end0:
.L_simem_size_0:
called_computation.1_lowered:
.L_overlay_start_0:
0x88: {  	s2 =	sld [smem:$0x3FD9]  }
0x89: {  	s3 =	sld [smem:$0x3FFE];
	_ =	sdelay $0x1  }
0x8a: {  	s1 =	srdreg.scid  }
0x8b: {  	s0 =	sand.u32 $0x1, s1  }
0x8c: {  	s17 =	sshll.u32 s0, $0xA;
	s2 =	sadd.s32 s3, s2  }
0x8d: {  	s2 =	sadd.s32 s2, s17  }
0x8e: {  	[smem:$0x3FC1] =	sst s2  }
0x8f: {  	_ = 	snop  }
0x90: {  	s2 =	sld [smem:$0x3FD0];
	(tm) =	ssettm $0x1  }
0x91: {  	s18 =	sld [smem:$0x3FFB];
	_ =	sdelay $0x3  }
0x92: {  	_ =	strace s18  }
0x93: {  	s3 =	sld [smem:$0x3FFC];
	_ =	sdelay $0x3  }
0x94: {  	_ =	strace s3  }
0x95: {  	s3 =	sld [smem:$0x3FFD];
	_ =	sdelay $0x3  }
0x96: {  	_ =	strace s3  }
0x97: {  	_ =	strace $0x8FFFFFFF  }
0x98: {  	s19 =	sld [smem:$0x3FDB];
	_ =	sdelay $0x1  }
0x99: {  	s4 =	simm.s32 $_scs_section_size  }
0x9a: {  	s5 =	simm.s32 $_size__tile_overlayer_lowered;
	s6 =	simm.s32 $_tile_overlayer_lowered  }
0x9b: {  	s22 =	simm.s32 $0x1BFF;
	s21 =	sshll.u32 s6, $0x1;
	s3 =	sadd.s32 s4, s19  }
0x9c: {  	s7 =	simm.s32 $0x0;
	s20 =	sshll.u32 s5, $0x1;
	s5 =	sadd.s32 s21, s3  }
0x9d: {  	[timem:s7], [sflag:s22] =	dma.local [hbm:s5], s20  }
0x9e: {  	_ =	swait.ge [sflag:s22], s20  }
0x9f: {  	s4 =	ssub.s32 $0x0, s20;
	[sflag:s22] =	ssyncset.done $0x0  }
0xa0: {  	[sflag:s22] =	ssyncadd.s32 s4;
	_ =	sdelay $0x1  }
0xa1: {  	s23 =	simm.s32 $0x1B8B  }
0xa2: {  	_ =	swait.ge [sflag:s23], $0x1  }
0xa3: {  	[sflag:s23] =	ssyncset.done $0x0  }
0xa4: {  	s25 =	simm.s32 $0x1B8E;
	s24 =	sld [smem:$0x3FFE];
	[sflag:s23] =	ssyncadd.s32 $0xFFFFFFFF  }
0xa5: {  	s26 =	simm.s32 $execute0_lowered;
	[smem:$0x3FD2] =	sst s25  }
0xa6: {  	s5 =	sshll.u32 s26, $0x1;
	_ =	strace $0x80000049;
	[dreg:$0x1] =	wrdreg $0xFFFFFFFF  }
0xa7: {  	s28 =	simm.s32 $_size_execute0_lowered;
	s3 =	sadd.s32 s3, s5;
	[dreg:$0x0] =	wrdreg $0x0  }
0xa8: {  	s5 =	sshll.u32 s28, $0x1;
	[dreg:$0x2] =	wrdreg s3  }
0xa9: {  	[dreg:$0x3] =	wrdreg s5  }
0xaa: {  	[dreg:$0x4] =	wrdreg $0xC0  }
0xab: {  	_ =	task [dreg:s7], $0x5FFFF  }
0xac: {  	[dreg:$0x1] =	wrdreg $0xFFFFFFFF  }
0xad: {  	[dreg:$0x0] =	wrdreg $0x60  }
0xae: {  	[dreg:$0x2] =	wrdreg s24  }
0xaf: {  	[dreg:$0x3] =	wrdreg s2  }
0xb0: {  	[dreg:$0x4] =	wrdreg $0xB0000  }
0xb1: {  	[dreg:$0x5] =	wrdreg $0x9  }
0xb2: {  	_ =	task.clear_ibuf [dreg:s7], $0x6FFFF;
	_ =	strace $0x90000049  }
0xb3: {  	s29 =	simm.s32 $0x9;
	_ =	strace $0x8000004B  }
0xb4: {  	_ =	swait.ge [sflag:s29], $0x1  }
0xb5: {  	[sflag:s29] =	ssyncadd.s32 $0xFFFFFFFF  }
0xb6: {  	_ =	strace $0x9000004B  }
0xb7: {  	_ =	sfence  }
0xb8: {  	s30 =	sld [smem:$0x0];
	_ =	sdelay $0x2  }
0xb9: {  	s31 =	sshll.u32 s1, $0xD;
	s1 =	sshrl.u32 s1, $0x2  }
0xba: {  	s3 =	sand.u32 $0x4000, s31;
	s1 =	sadd.s32 s1, s30  }
0xbb: {  	s0 =	sor.u32 s3, s0;
	s1 =	sshll.u32 s1, $0x11  }
0xbc: {  	s0 =	sor.u32 s1, s0  }
0xbd: {  	s0 =	sadd.s32 $0x8F2B, s0  }
0xbe: {  	[sflag:s0] =	ssyncadd.remote.s32 $0x1  }
0xbf: {  	_ =	sfence.sel $0xFFFF  }
0xc0: {  	[dreg:$0x0] =	wrdreg $0xFFFFFFFF;
	(pc) =	sbr.abs _section_cstart, $3  }
0xc1: {  	[dreg:$0x1] =	wrdreg $0xFFFFFFFF  }
0xc2: {  	_ =	task.clear_ibuf [dreg:s7], $0x2FFFF;
	_ =	strace $0x9FFFFFFF  }
0xc3: {  	(tm) =	ssettm $0x7FFFFFFF  }
tec
execute0_lowered:
.L_overlay_start_1:
0x0: {  	(tag) =	ssettag $0x1  }
0x1: {  	s7 =	rddreg [dreg:$0x0]  }
0x2: {  	s0 =	srdreg.scid;
	s8 =	rddreg [dreg:$0x1]  }
0x3: {  	s2 =	rddreg [dreg:$0x2];
	s3 =	simm.s32 $0x0;
	s14 =	simm.s32 $0x80  }
0x4: {  	s15 =	simm.s32 $0x7000;
	s16 =	simm.s32 $0x1;
	s6 =	sand.u32 $0x1, s0  }
0x5: {  	s17 =	simm.s32 $0x0;
	s0 =	stileid.u32;
	s5 =	smul.u32 $0x140000, s6  }
0x6: {  	[smem:$0x7FF] =	sst s3;
	s4 =	sadd.s32 $0x14000, s7;
	s10 =	smul.u32 $0x14000, s0  }
0x7: {  	s1 =	sshll.u32 s6, $0x4;
	s12 =	ssub.s32 $0x2, s6;
	s13 =	smul.u32 $0x50000, s0  }
0x8: {  	p0 =	seq.s32 s6, $0x0;
	s6 =	simm.s32 $0x6E;
	s31 =	sshll.u32 s0, $0x6  }
0x9: {  	s1 =	sor.u32 s0, s1;
	s29 =	sshrl.u32 s12, $0x1;
	s6 =	simm.s32 @!p0 $0x30  }
0xa: {  	s9 =	smul.u32 $0x700, s1;
	s1 =	rddreg [dreg:$0x3];
	_ =	strace $0x8000004A  }
0xb: {  	s10 =	sadd.s32 s10, s5;
	s5 =	sadd.s32 $0x8C000, s7;
	s30 =	sshrl.u32 s13, $0x2  }
0xc: {  	s12 =	ssub.s32 s12, s29;
	s10 =	sshrl.u32 s10, $0x3;
	s13 =	sadd.s32 s30, s2  }
0xd: {  	s11 =	sadd.s32 s9, s7;
	s10 =	sadd.s32 s10, s7;
	s8 =	sadd.s32 s8, s9  }
0xe: {  	s13 =	sshrl.u32 s13, $0x3;
	s7 =	sadd.s32 $0x6000, s11;
	s9 =	sadd.s32 $0x8E800, s10  }
0xf: {  	s10 =	smax.u32 s12, $0x1;
	s11 =	simm.s32 $0x2;
	s12 =	sor.u32 $0x1C02, s31  }
.LBB2_1:
0x10: {  	[tilespmem:s3], [sflag:$0x2] =	stream.linear.gather [hbm4b:s7+s3], $0x3700, $0x38;
	[tilespmem:$0x1F000] =	vst v63  }
0x11: {  	_ =	swait.ge [sflag:s11], $0x3700  }
0x12: {  	[sflag:s11] =	ssyncset.done $0x0  }
0x13: {  	s18 =	simm.s32 $0x3800;
	[sflag:s11] =	ssyncadd.s32 $0xFFFFC900  }
0x14: {  	[tilespmem:s18], [sflag:$0x2] =	stream.linear.gather [hbm4b:s8+s3], $0x3700, $0x38;
	[tilespmem:$0x1F000] =	vst v63  }
0x15: {  	_ =	swait.ge [sflag:s11], $0x3700  }
0x16: {  	[sflag:s11] =	ssyncset.done $0x0  }
0x17: {  	[sflag:s11] =	ssyncadd.s32 $0xFFFFC900  }
0x18: {  	[spmem:s13], [sflag:s12] =	dma.local [hbm:s5], $0x2800  }
0x19: {  	_ =	swait.ge [sflag:s11], $0x2800  }
0x1a: {  	[sflag:s11] =	ssyncset.done $0x0  }
0x1b: {  	[sflag:s11] =	ssyncadd.s32 $0xFFFFD800  }
0x1c: {  	[bflag:$0x0] =	sbarrier.arrive $0xFFFF  }
0x1d: {  	[tilespmem:s15], [sflag:$0x1] =	stream.indirect.gather [hbm4b:s4+s14], $0x80, s3, s14, $0xb8;
	[tilespmem:$0x1F000] =	vst v63  }
0x1e: {  	p0 =	sne.s32 s6, $0x1;
	_ =	swait.ge [sflag:s16], $0x4000  }
.Ltmp0:
0x1f: {  	[sflag:s16] =	ssyncset.done $0x0;
	(pc) =	sbr.rel @!p0 .LBB2_3-.Ltmp0, $4  }
0x20: {  	[sflag:s16] =	ssyncadd.s32 $0xFFFFC000  }
0x21: {  	[spmem:s2] =	stream.indirect.scatter.add.f32 [tilespmem:s15], [sflag:$0x2], $0x80, s18, s14, $0xb8;
	[tilespmem:$0x1F000] =	vst v63  }
0x22: {  	_ =	swait.ge [sflag:s11], $0x4000  }
0x23: {  	s19 =	sadd.s32 $0xFFFFFFFF, s6;
	s20 =	simm.s32 $0x0;
	[sflag:s11] =	ssyncset.done $0x0  }
.LBB2_2:
0x24: {  	[sflag:s11] =	ssyncadd.s32 $0xFFFFC000;
	s20 =	sadd.s32 $0x80, s20;
	s18 =	sadd.s32 $0x80, s18  }
0x25: {  	[tilespmem:s15], [sflag:$0x1] =	stream.indirect.gather [hbm4b:s4+s14], $0x80, s20, s14, $0xb8;
	[tilespmem:$0x1F000] =	vst v63  }
0x26: {  	p0 =	sne.s32 s19, $0x1;
	s19 =	sadd.s32 $0xFFFFFFFF, s19;
	_ =	swait.ge [sflag:s16], $0x4000  }
.Ltmp1:
0x27: {  	[sflag:s16] =	ssyncset.done $0x0;
	(pc) =	sbr.rel @p0 .LBB2_2-.Ltmp1, $4  }
0x28: {  	[sflag:s16] =	ssyncadd.s32 $0xFFFFC000  }
0x29: {  	[spmem:s2] =	stream.indirect.scatter.add.f32 [tilespmem:s15], [sflag:$0x2], $0x80, s18, s14, $0xb8;
	[tilespmem:$0x1F000] =	vst v63  }
0x2a: {  	_ =	swait.ge [sflag:s11], $0x4000  }
0x2b: {  	[sflag:s11] =	ssyncset.done $0x0  }
.LBB2_3:
0x2c: {  	s17 =	sadd.s32 $0x1, s17  }
0x2d: {  	[sflag:s11] =	ssyncadd.s32 $0xFFFFC000;
	p0 =	sne.s32 s17, s10  }
.Ltmp2:
0x2e: {  	[bflag:$0x0] =	sbarrier.arrive $0xFFFF;
	(pc) =	sbr.rel @p0 .LBB2_1-.Ltmp2, $4  }
0x2f: {  	[hbm:s9], [sflag:s12] =	dma.local [spmem:s13], $0x2800  }
0x30: {  	_ =	swait.ge [sflag:s11], $0x2800  }
0x31: {  	[sflag:s11] =	ssyncset.done $0x0  }
0x32: {  	[sflag:s11] =	ssyncadd.s32 $0xFFFFD800  }
0x33: {  	_ =	sfence.sel $0x180000  }
0x34: {  	[bflag:$0x0] =	sbarrier.arrive $0xFFFF  }
0x35: {  	p0 =	sne.s32 s0, $0x0;
	_ =	strace $0x9000004A  }
0x36: {  	s0 =	sadd.s32 @!p0 $0x100000, s1;
	[bflag:$0x2] =	sbarrier.arrive $0xFFFF  }
0x37: {  	[sflag:s0] =	ssyncadd.tile.s32 @!p0 $0x1;
	_ =	shalt  }
.Lfunc_end2:
_tile_overlayer_lowered:
.L_overlay_start_2:
0x38: {  	(tag) =	ssettag $0x2  }
0x39: {  	s0 =	rddreg [dreg:$0x0];
	s2 =	stileid.u32  }
0x3a: {  	s1 =	rddreg [dreg:$0x1];
	p0 =	sne.s32 s2, $0x0  }
0x3b: {  	s3 =	rddreg [dreg:$0x2];
	[bflag:$0x3] =	sbarrier.arrive $0xFFFF;
	s2 =	simm.s32 @!p0 $0x1C02  }
0x3c: {  	[timem:s3], [sflag:s2] =	dma.local @!p0 [hbm:s0], s1  }
0x3d: {  	s0 =	simm.s32 @!p0 $0x2  }
0x3e: {  	_ =	swait.ge @!p0 [sflag:s0], s1  }
0x3f: {  	s1 =	ssub.s32 @!p0 $0x0, s1;
	[sflag:s0] =	ssyncset.done @!p0 $0x0  }
0x40: {  	[sflag:s0] =	ssyncadd.s32 @!p0 s1  }
0x41: {  	[bflag:$0x3] =	sbarrier.arrive $0xFFFF  }
0x42: {  	_ =	shalt  }

// kernel: kernel.18.cloned.1.call-start
scs
__scs_entry_jumppad:
0x0: {  	(pc) =	sbr.rel $0x88, $3  }
0x1: {  	(tag) =	ssettag $0x0;
	lr =	simm.s32 $0x1  }
0x2: {  	[smem:$0x3F9A] =	sst lr;
	_ =	strace $0xD0000000  }
0x3: {  	_ = 	snop  }
0x4: {  	_ = 	snop  }
0x5: {  	_ = 	snop  }
0x6: {  	_ = 	snop  }
0x7: {  	_ = 	snop  }
__scs_overlays_trampoline_lowered:
0x8: {  	[smem:$0x3FA9] =	sst s0  }
0x9: {  	[smem:$0x3FAA] =	sst s1  }
0xa: {  	[smem:$0x3FAB] =	sst s2  }
0xb: {  	[smem:$0x3FAC] =	sst s3  }
0xc: {  	[smem:$0x3FAD] =	sst s4  }
0xd: {  	[smem:$0x3FAE] =	sst s5  }
0xe: {  	[smem:$0x3FAF] =	sst s6  }
0xf: {  	[smem:$0x3FB0] =	sst s7  }
0x10: {  	[smem:$0x3FB1] =	sst s8  }
0x11: {  	[smem:$0x3FB2] =	sst s9;
	s0 =	simm.s32 @!p0 $0x0  }
0x12: {  	s1 =	sld [smem:$0x3F98];
	s0 =	simm.s32 @p0 $0x1  }
0x13: {  	[smem:$0x3FB3] =	sst s0;
	s0 =	simm.s32 @!p1 $0x0  }
0x14: {  	s2 =	sld [smem:$0x3F97];
	s0 =	simm.s32 @p1 $0x1  }
0x15: {  	[smem:$0x3FB4] =	sst s0;
	s0 =	simm.s32 @!p2 $0x0  }
0x16: {  	s3 =	sld [smem:$0x3FDB];
	s0 =	simm.s32 @p2 $0x1  }
0x17: {  	s4 =	simm.s32 $0x1BF5;
	[smem:$0x3FB6] =	sst s0  }
0x18: {  	s0 =	sld [smem:$0x3F99];
	_ =	swait.ge [sflag:s4], $0x0  }
0x19: {  	s7 =	sld [smem:$0x3F9A]  }
0x1a: {  	s8 =	sadd.s32 $0xFFFFE003, lr  }
0x1b: {  	s9 =	sadd.s32 $0xFFFFFEF7, lr;
	s5 =	simm.s32 $0xFFFFFFFF;
	p2 =	slt.u32 s8, $0xFFFFF086  }
0x1c: {  	p1 =	slt.u32 s9, $0xF7A;
	s5 =	simm.s32 @!p2 $0x0  }
0x1d: {  	s5 =	simm.s32 @p1 $0x1;
	p0 =	seq.s32 s7, s2  }
0x1e: {  	s7 =	smul.u32 @!p0 $0xF7A, s2;
	p2 =	seq.s32 @!p0 s5, $0x0  }
0x1f: {  	s9 =	smul.u32 $0xF7A, s1;
	s8 =	simm.s32 @!p0 $0x1BF5;
	p2 =	por !p2, p0  }
0x20: {  	[sflag:s8] =	ssyncset.s32 @!p0 $0xFFFFF086;
	s6 =	sadd.s32 @!p0 s3, s7;
	s7 =	simm.s32 @!p0 $0x108  }
0x21: {  	s3 =	sadd.s32 s3, s9;
	s6 =	sadd.s32 @!p0 $0x88, s6;
	s7 =	simm.s32 @p2 $0x1082  }
0x22: {  	[simem:s7], [sflag:s8] =	dma.local @!p0 [hbm:s6], $0xF7A  }
0x23: {  	s9 =	sor.u32 $0xD0000000, s2;
	s6 =	simm.s32 $0x108;
	_ =	swait.ge @!p0 [sflag:s8], $0x0  }
0x24: {  	s3 =	sadd.s32 $0x88, s3;
	s6 =	simm.s32 @!p1 $0x1082;
	[sflag:s4] =	ssyncset.s32 $0xFFFFF086  }
0x25: {  	[simem:s6], [sflag:s4] =	dma.local [hbm:s3], $0xF7A  }
0x26: {  	[smem:$0x3F9A] =	sst s1;
	(tag) =	ssettag s2;
	_ =	strace s9  }
0x27: {  	s1 =	sld [smem:$0x3FAA]  }
0x28: {  	s2 =	sld [smem:$0x3FAB]  }
0x29: {  	s4 =	sld [smem:$0x3FAD]  }
0x2a: {  	p0 =	seq.s32 s5, $0x0;
	s5 =	sld [smem:$0x3FAE]  }
0x2b: {  	s6 =	sld [smem:$0x3FAF]  }
0x2c: {  	s7 =	sld [smem:$0x3FB0]  }
0x2d: {  	s3 =	simm.s32 $0x108;
	s8 =	sld [smem:$0x3FB1]  }
0x2e: {  	s3 =	simm.s32 @!p0 $0x1082;
	s9 =	sld [smem:$0x3FB2]  }
0x2f: {  	lr =	sadd.s32 s0, s3;
	s0 =	sld [smem:$0x3FA9]  }
0x30: {  	s3 =	sld [smem:$0x3FAC]  }
0x31: {  	[smem:$0x3FB5] =	sst s10  }
0x32: {  	s10 =	sld [smem:$0x3FB3];
	_ =	sdelay $0x3  }
0x33: {  	p0 =	seq.s32 s10, $0x1;
	s10 =	sld [smem:$0x3FB5];
	_ =	sdelay $0x3  }
0x34: {  	[smem:$0x3FB5] =	sst s10  }
0x35: {  	s10 =	sld [smem:$0x3FB4];
	_ =	sdelay $0x3  }
0x36: {  	p1 =	seq.s32 s10, $0x1;
	s10 =	sld [smem:$0x3FB5];
	_ =	sdelay $0x3  }
0x37: {  	[smem:$0x3FB5] =	sst s10  }
0x38: {  	s10 =	sld [smem:$0x3FB6]  }
0x39: {  	_ = 	snop;
	(pc) =	sbr.ind lr, $3  }
0x3a: {  	_ = 	snop  }
0x3b: {  	_ = 	snop  }
0x3c: {  	p2 =	seq.s32 s10, $0x1;
	s10 =	sld [smem:$0x3FB5]  }
0x3d: {  	_ =	shalt  }
0x3e: {  	_ =	shalt  }
0x3f: {  	_ =	shalt  }
0x40: {  	_ =	shalt  }
0x41: {  	_ =	shalt  }
0x42: {  	_ =	shalt  }
0x43: {  	_ =	shalt  }
0x44: {  	_ =	shalt  }
0x45: {  	_ =	shalt  }
0x46: {  	_ =	shalt  }
0x47: {  	_ =	shalt  }
0x48: {  	_ =	shalt  }
0x49: {  	_ =	shalt  }
0x4a: {  	_ =	shalt  }
0x4b: {  	_ =	shalt  }
0x4c: {  	_ =	shalt  }
0x4d: {  	_ =	shalt  }
0x4e: {  	_ =	shalt  }
0x4f: {  	_ =	shalt  }
0x50: {  	_ =	shalt  }
0x51: {  	_ =	shalt  }
0x52: {  	_ =	shalt  }
0x53: {  	_ =	shalt  }
0x54: {  	_ =	shalt  }
0x55: {  	_ =	shalt  }
0x56: {  	_ =	shalt  }
0x57: {  	_ =	shalt  }
0x58: {  	_ =	shalt  }
0x59: {  	_ =	shalt  }
0x5a: {  	_ =	shalt  }
0x5b: {  	_ =	shalt  }
0x5c: {  	_ =	shalt  }
0x5d: {  	_ =	shalt  }
0x5e: {  	_ =	shalt  }
0x5f: {  	_ =	shalt  }
0x60: {  	_ =	shalt  }
0x61: {  	_ =	shalt  }
0x62: {  	_ =	shalt  }
0x63: {  	_ =	shalt  }
0x64: {  	_ =	shalt  }
0x65: {  	_ =	shalt  }
0x66: {  	_ =	shalt  }
0x67: {  	_ =	shalt  }
0x68: {  	_ =	shalt  }
0x69: {  	_ =	shalt  }
0x6a: {  	_ =	shalt  }
0x6b: {  	_ =	shalt  }
0x6c: {  	_ =	shalt  }
0x6d: {  	_ =	shalt  }
0x6e: {  	_ =	shalt  }
0x6f: {  	_ =	shalt  }
0x70: {  	_ =	shalt  }
0x71: {  	_ =	shalt  }
0x72: {  	_ =	shalt  }
0x73: {  	_ =	shalt  }
0x74: {  	_ =	shalt  }
0x75: {  	_ =	shalt  }
0x76: {  	_ =	shalt  }
0x77: {  	_ =	shalt  }
0x78: {  	_ =	shalt  }
0x79: {  	_ =	shalt  }
0x7a: {  	_ =	shalt  }
0x7b: {  	_ =	shalt  }
0x7c: {  	_ =	shalt  }
0x7d: {  	_ =	shalt  }
0x7e: {  	_ =	shalt  }
0x7f: {  	_ =	shalt  }
0x80: {  	_ =	shalt  }
0x81: {  	_ =	shalt  }
0x82: {  	_ =	shalt  }
0x83: {  	_ =	shalt  }
0x84: {  	_ =	shalt  }
0x85: {  	_ =	shalt  }
0x86: {  	_ =	shalt  }
0x87: {  	_ =	shalt  }
.Lfunc_end0:
.L_simem_size_0:
called_computation.2_lowered:
.L_overlay_start_0:
0x88: {  	s2 =	sld [smem:$0x3FD9]  }
0x89: {  	s3 =	sld [smem:$0x3FFE];
	_ =	sdelay $0x1  }
0x8a: {  	s1 =	srdreg.scid  }
0x8b: {  	s0 =	sand.u32 $0x1, s1  }
0x8c: {  	s17 =	sshll.u32 s0, $0xA;
	s2 =	sadd.s32 s3, s2  }
0x8d: {  	s2 =	sadd.s32 s2, s17  }
0x8e: {  	[smem:$0x3FC1] =	sst s2  }
0x8f: {  	_ = 	snop  }
0x90: {  	s2 =	sld [smem:$0x3FD0];
	(tm) =	ssettm $0x1  }
0x91: {  	s18 =	sld [smem:$0x3FFB];
	_ =	sdelay $0x3  }
0x92: {  	_ =	strace s18  }
0x93: {  	s3 =	sld [smem:$0x3FFC];
	_ =	sdelay $0x3  }
0x94: {  	_ =	strace s3  }
0x95: {  	s3 =	sld [smem:$0x3FFD];
	_ =	sdelay $0x3  }
0x96: {  	_ =	strace s3  }
0x97: {  	_ =	strace $0x8FFFFFFF  }
0x98: {  	s19 =	sld [smem:$0x3FDB];
	_ =	sdelay $0x1  }
0x99: {  	s4 =	simm.s32 $_scs_section_size  }
0x9a: {  	s5 =	simm.s32 $_size__tile_overlayer_lowered;
	s6 =	simm.s32 $_tile_overlayer_lowered  }
0x9b: {  	s22 =	simm.s32 $0x1BFF;
	s21 =	sshll.u32 s6, $0x1;
	s3 =	sadd.s32 s4, s19  }
0x9c: {  	s7 =	simm.s32 $0x0;
	s20 =	sshll.u32 s5, $0x1;
	s5 =	sadd.s32 s21, s3  }
0x9d: {  	[timem:s7], [sflag:s22] =	dma.local [hbm:s5], s20  }
0x9e: {  	_ =	swait.ge [sflag:s22], s20  }
0x9f: {  	s4 =	ssub.s32 $0x0, s20;
	[sflag:s22] =	ssyncset.done $0x0  }
0xa0: {  	[sflag:s22] =	ssyncadd.s32 s4;
	_ =	sdelay $0x1  }
0xa1: {  	s23 =	simm.s32 $0x1B8B  }
0xa2: {  	_ =	swait.ge [sflag:s23], $0x1  }
0xa3: {  	[sflag:s23] =	ssyncset.done $0x0  }
0xa4: {  	s25 =	simm.s32 $0x1B8E;
	s24 =	sld [smem:$0x3FFE];
	[sflag:s23] =	ssyncadd.s32 $0xFFFFFFFF  }
0xa5: {  	s26 =	simm.s32 $execute0_lowered;
	[smem:$0x3FD2] =	sst s25  }
0xa6: {  	s5 =	sshll.u32 s26, $0x1;
	_ =	strace $0x8000004C;
	[dreg:$0x1] =	wrdreg $0xFFFFFFFF  }
0xa7: {  	s28 =	simm.s32 $_size_execute0_lowered;
	s3 =	sadd.s32 s3, s5;
	[dreg:$0x0] =	wrdreg $0x0  }
0xa8: {  	s5 =	sshll.u32 s28, $0x1;
	[dreg:$0x2] =	wrdreg s3  }
0xa9: {  	[dreg:$0x3] =	wrdreg s5  }
0xaa: {  	[dreg:$0x4] =	wrdreg $0xC0  }
0xab: {  	_ =	task [dreg:s7], $0x5FFFF  }
0xac: {  	[dreg:$0x1] =	wrdreg $0xFFFFFFFF  }
0xad: {  	[dreg:$0x0] =	wrdreg $0x60  }
0xae: {  	[dreg:$0x2] =	wrdreg s24  }
0xaf: {  	[dreg:$0x3] =	wrdreg s2  }
0xb0: {  	[dreg:$0x4] =	wrdreg $0xB0000  }
0xb1: {  	[dreg:$0x5] =	wrdreg $0x9  }
0xb2: {  	_ =	task.clear_ibuf [dreg:s7], $0x6FFFF;
	_ =	strace $0x9000004C  }
0xb3: {  	s29 =	simm.s32 $0x9;
	_ =	strace $0x8000004E  }
0xb4: {  	_ =	swait.ge [sflag:s29], $0x1  }
0xb5: {  	[sflag:s29] =	ssyncadd.s32 $0xFFFFFFFF  }
0xb6: {  	_ =	strace $0x9000004E  }
0xb7: {  	_ =	sfence  }
0xb8: {  	s30 =	sld [smem:$0x0];
	_ =	sdelay $0x2  }
0xb9: {  	s31 =	sshll.u32 s1, $0xD;
	s1 =	sshrl.u32 s1, $0x2  }
0xba: {  	s3 =	sand.u32 $0x4000, s31;
	s1 =	sadd.s32 s1, s30  }
0xbb: {  	s0 =	sor.u32 s3, s0;
	s1 =	sshll.u32 s1, $0x11  }
0xbc: {  	s0 =	sor.u32 s1, s0  }
0xbd: {  	s0 =	sadd.s32 $0x8F2B, s0  }
0xbe: {  	[sflag:s0] =	ssyncadd.remote.s32 $0x1  }
0xbf: {  	_ =	sfence.sel $0xFFFF  }
0xc0: {  	[dreg:$0x0] =	wrdreg $0xFFFFFFFF;
	(pc) =	sbr.abs _section_cstart, $3  }
0xc1: {  	[dreg:$0x1] =	wrdreg $0xFFFFFFFF  }
0xc2: {  	_ =	task.clear_ibuf [dreg:s7], $0x2FFFF;
	_ =	strace $0x9FFFFFFF  }
0xc3: {  	(tm) =	ssettm $0x7FFFFFFF  }
tec
execute0_lowered:
.L_overlay_start_1:
0x0: {  	(tag) =	ssettag $0x1  }
0x1: {  	s7 =	rddreg [dreg:$0x0]  }
0x2: {  	s0 =	srdreg.scid;
	s8 =	rddreg [dreg:$0x1]  }
0x3: {  	s2 =	rddreg [dreg:$0x2];
	s3 =	simm.s32 $0x0;
	s14 =	simm.s32 $0x80  }
0x4: {  	s15 =	simm.s32 $0x7000;
	s16 =	simm.s32 $0x1;
	s6 =	sand.u32 $0x1, s0  }
0x5: {  	s17 =	simm.s32 $0x0;
	s0 =	stileid.u32;
	s5 =	smul.u32 $0x140000, s6  }
0x6: {  	[smem:$0x7FF] =	sst s3;
	s4 =	sadd.s32 $0x14000, s7;
	s10 =	smul.u32 $0x14000, s0  }
0x7: {  	s1 =	sshll.u32 s6, $0x4;
	s12 =	ssub.s32 $0x2, s6;
	s13 =	smul.u32 $0x50000, s0  }
0x8: {  	p0 =	seq.s32 s6, $0x0;
	s6 =	simm.s32 $0x6E;
	s31 =	sshll.u32 s0, $0x6  }
0x9: {  	s1 =	sor.u32 s0, s1;
	s29 =	sshrl.u32 s12, $0x1;
	s6 =	simm.s32 @!p0 $0x30  }
0xa: {  	s9 =	smul.u32 $0x700, s1;
	s1 =	rddreg [dreg:$0x3];
	_ =	strace $0x8000004D  }
0xb: {  	s10 =	sadd.s32 s10, s5;
	s5 =	sadd.s32 $0x8C000, s7;
	s30 =	sshrl.u32 s13, $0x2  }
0xc: {  	s12 =	ssub.s32 s12, s29;
	s10 =	sshrl.u32 s10, $0x3;
	s13 =	sadd.s32 s30, s2  }
0xd: {  	s11 =	sadd.s32 s9, s7;
	s10 =	sadd.s32 s10, s7;
	s8 =	sadd.s32 s8, s9  }
0xe: {  	s13 =	sshrl.u32 s13, $0x3;
	s7 =	sadd.s32 $0x6000, s11;
	s9 =	sadd.s32 $0x8E800, s10  }
0xf: {  	s10 =	smax.u32 s12, $0x1;
	s11 =	simm.s32 $0x2;
	s12 =	sor.u32 $0x1C02, s31  }
.LBB2_1:
0x10: {  	[tilespmem:s3], [sflag:$0x2] =	stream.linear.gather [hbm4b:s7+s3], $0x3700, $0x38;
	[tilespmem:$0x1F000] =	vst v63  }
0x11: {  	_ =	swait.ge [sflag:s11], $0x3700  }
0x12: {  	[sflag:s11] =	ssyncset.done $0x0  }
0x13: {  	s18 =	simm.s32 $0x3800;
	[sflag:s11] =	ssyncadd.s32 $0xFFFFC900  }
0x14: {  	[tilespmem:s18], [sflag:$0x2] =	stream.linear.gather [hbm4b:s8+s3], $0x3700, $0x38;
	[tilespmem:$0x1F000] =	vst v63  }
0x15: {  	_ =	swait.ge [sflag:s11], $0x3700  }
0x16: {  	[sflag:s11] =	ssyncset.done $0x0  }
0x17: {  	[sflag:s11] =	ssyncadd.s32 $0xFFFFC900  }
0x18: {  	[spmem:s13], [sflag:s12] =	dma.local [hbm:s5], $0x2800  }
0x19: {  	_ =	swait.ge [sflag:s11], $0x2800  }
0x1a: {  	[sflag:s11] =	ssyncset.done $0x0  }
0x1b: {  	[sflag:s11] =	ssyncadd.s32 $0xFFFFD800  }
0x1c: {  	[bflag:$0x0] =	sbarrier.arrive $0xFFFF  }
0x1d: {  	[tilespmem:s15], [sflag:$0x1] =	stream.indirect.gather [hbm4b:s4+s14], $0x80, s3, s14, $0xb8;
	[tilespmem:$0x1F000] =	vst v63  }
0x1e: {  	p0 =	sne.s32 s6, $0x1;
	_ =	swait.ge [sflag:s16], $0x4000  }
.Ltmp0:
0x1f: {  	[sflag:s16] =	ssyncset.done $0x0;
	(pc) =	sbr.rel @!p0 .LBB2_3-.Ltmp0, $4  }
0x20: {  	[sflag:s16] =	ssyncadd.s32 $0xFFFFC000  }
0x21: {  	[spmem:s2] =	stream.indirect.scatter.add.f32 [tilespmem:s15], [sflag:$0x2], $0x80, s18, s14, $0xb8;
	[tilespmem:$0x1F000] =	vst v63  }
0x22: {  	_ =	swait.ge [sflag:s11], $0x4000  }
0x23: {  	s19 =	sadd.s32 $0xFFFFFFFF, s6;
	s20 =	simm.s32 $0x0;
	[sflag:s11] =	ssyncset.done $0x0  }
.LBB2_2:
0x24: {  	[sflag:s11] =	ssyncadd.s32 $0xFFFFC000;
	s20 =	sadd.s32 $0x80, s20;
	s18 =	sadd.s32 $0x80, s18  }
0x25: {  	[tilespmem:s15], [sflag:$0x1] =	stream.indirect.gather [hbm4b:s4+s14], $0x80, s20, s14, $0xb8;
	[tilespmem:$0x1F000] =	vst v63  }
0x26: {  	p0 =	sne.s32 s19, $0x1;
	s19 =	sadd.s32 $0xFFFFFFFF, s19;
	_ =	swait.ge [sflag:s16], $0x4000  }
.Ltmp1:
0x27: {  	[sflag:s16] =	ssyncset.done $0x0;
	(pc) =	sbr.rel @p0 .LBB2_2-.Ltmp1, $4  }
0x28: {  	[sflag:s16] =	ssyncadd.s32 $0xFFFFC000  }
0x29: {  	[spmem:s2] =	stream.indirect.scatter.add.f32 [tilespmem:s15], [sflag:$0x2], $0x80, s18, s14, $0xb8;
	[tilespmem:$0x1F000] =	vst v63  }
0x2a: {  	_ =	swait.ge [sflag:s11], $0x4000  }
0x2b: {  	[sflag:s11] =	ssyncset.done $0x0  }
.LBB2_3:
0x2c: {  	s17 =	sadd.s32 $0x1, s17  }
0x2d: {  	[sflag:s11] =	ssyncadd.s32 $0xFFFFC000;
	p0 =	sne.s32 s17, s10  }
.Ltmp2:
0x2e: {  	[bflag:$0x0] =	sbarrier.arrive $0xFFFF;
	(pc) =	sbr.rel @p0 .LBB2_1-.Ltmp2, $4  }
0x2f: {  	[hbm:s9], [sflag:s12] =	dma.local [spmem:s13], $0x2800  }
0x30: {  	_ =	swait.ge [sflag:s11], $0x2800  }
0x31: {  	[sflag:s11] =	ssyncset.done $0x0  }
0x32: {  	[sflag:s11] =	ssyncadd.s32 $0xFFFFD800  }
0x33: {  	_ =	sfence.sel $0x180000  }
0x34: {  	[bflag:$0x0] =	sbarrier.arrive $0xFFFF  }
0x35: {  	p0 =	sne.s32 s0, $0x0;
	_ =	strace $0x9000004D  }
0x36: {  	s0 =	sadd.s32 @!p0 $0x100000, s1;
	[bflag:$0x2] =	sbarrier.arrive $0xFFFF  }
0x37: {  	[sflag:s0] =	ssyncadd.tile.s32 @!p0 $0x1;
	_ =	shalt  }
.Lfunc_end2:
_tile_overlayer_lowered:
.L_overlay_start_2:
0x38: {  	(tag) =	ssettag $0x2  }
0x39: {  	s0 =	rddreg [dreg:$0x0];
	s2 =	stileid.u32  }
0x3a: {  	s1 =	rddreg [dreg:$0x1];
	p0 =	sne.s32 s2, $0x0  }
0x3b: {  	s3 =	rddreg [dreg:$0x2];
	[bflag:$0x3] =	sbarrier.arrive $0xFFFF;
	s2 =	simm.s32 @!p0 $0x1C02  }
0x3c: {  	[timem:s3], [sflag:s2] =	dma.local @!p0 [hbm:s0], s1  }
0x3d: {  	s0 =	simm.s32 @!p0 $0x2  }
0x3e: {  	_ =	swait.ge @!p0 [sflag:s0], s1  }
0x3f: {  	s1 =	ssub.s32 @!p0 $0x0, s1;
	[sflag:s0] =	ssyncset.done @!p0 $0x0  }
0x40: {  	[sflag:s0] =	ssyncadd.s32 @!p0 s1  }
0x41: {  	[bflag:$0x3] =	sbarrier.arrive $0xFFFF  }
0x42: {  	_ =	shalt  }

// kernel: kernel.21.cloned.1.call-start
scs
__scs_entry_jumppad:
0x0: {  	(pc) =	sbr.rel $0x88, $3  }
0x1: {  	(tag) =	ssettag $0x0;
	lr =	simm.s32 $0x1  }
0x2: {  	[smem:$0x3F9A] =	sst lr;
	_ =	strace $0xD0000000  }
0x3: {  	_ = 	snop  }
0x4: {  	_ = 	snop  }
0x5: {  	_ = 	snop  }
0x6: {  	_ = 	snop  }
0x7: {  	_ = 	snop  }
__scs_overlays_trampoline_lowered:
0x8: {  	[smem:$0x3FA9] =	sst s0  }
0x9: {  	[smem:$0x3FAA] =	sst s1  }
0xa: {  	[smem:$0x3FAB] =	sst s2  }
0xb: {  	[smem:$0x3FAC] =	sst s3  }
0xc: {  	[smem:$0x3FAD] =	sst s4  }
0xd: {  	[smem:$0x3FAE] =	sst s5  }
0xe: {  	[smem:$0x3FAF] =	sst s6  }
0xf: {  	[smem:$0x3FB0] =	sst s7  }
0x10: {  	[smem:$0x3FB1] =	sst s8  }
0x11: {  	[smem:$0x3FB2] =	sst s9;
	s0 =	simm.s32 @!p0 $0x0  }
0x12: {  	s1 =	sld [smem:$0x3F98];
	s0 =	simm.s32 @p0 $0x1  }
0x13: {  	[smem:$0x3FB3] =	sst s0;
	s0 =	simm.s32 @!p1 $0x0  }
0x14: {  	s2 =	sld [smem:$0x3F97];
	s0 =	simm.s32 @p1 $0x1  }
0x15: {  	[smem:$0x3FB4] =	sst s0;
	s0 =	simm.s32 @!p2 $0x0  }
0x16: {  	s3 =	sld [smem:$0x3FDB];
	s0 =	simm.s32 @p2 $0x1  }
0x17: {  	s4 =	simm.s32 $0x1BF5;
	[smem:$0x3FB6] =	sst s0  }
0x18: {  	s0 =	sld [smem:$0x3F99];
	_ =	swait.ge [sflag:s4], $0x0  }
0x19: {  	s7 =	sld [smem:$0x3F9A]  }
0x1a: {  	s8 =	sadd.s32 $0xFFFFE003, lr  }
0x1b: {  	s9 =	sadd.s32 $0xFFFFFEF7, lr;
	s5 =	simm.s32 $0xFFFFFFFF;
	p2 =	slt.u32 s8, $0xFFFFF086  }
0x1c: {  	p1 =	slt.u32 s9, $0xF7A;
	s5 =	simm.s32 @!p2 $0x0  }
0x1d: {  	s5 =	simm.s32 @p1 $0x1;
	p0 =	seq.s32 s7, s2  }
0x1e: {  	s7 =	smul.u32 @!p0 $0xF7A, s2;
	p2 =	seq.s32 @!p0 s5, $0x0  }
0x1f: {  	s9 =	smul.u32 $0xF7A, s1;
	s8 =	simm.s32 @!p0 $0x1BF5;
	p2 =	por !p2, p0  }
0x20: {  	[sflag:s8] =	ssyncset.s32 @!p0 $0xFFFFF086;
	s6 =	sadd.s32 @!p0 s3, s7;
	s7 =	simm.s32 @!p0 $0x108  }
0x21: {  	s3 =	sadd.s32 s3, s9;
	s6 =	sadd.s32 @!p0 $0x88, s6;
	s7 =	simm.s32 @p2 $0x1082  }
0x22: {  	[simem:s7], [sflag:s8] =	dma.local @!p0 [hbm:s6], $0xF7A  }
0x23: {  	s9 =	sor.u32 $0xD0000000, s2;
	s6 =	simm.s32 $0x108;
	_ =	swait.ge @!p0 [sflag:s8], $0x0  }
0x24: {  	s3 =	sadd.s32 $0x88, s3;
	s6 =	simm.s32 @!p1 $0x1082;
	[sflag:s4] =	ssyncset.s32 $0xFFFFF086  }
0x25: {  	[simem:s6], [sflag:s4] =	dma.local [hbm:s3], $0xF7A  }
0x26: {  	[smem:$0x3F9A] =	sst s1;
	(tag) =	ssettag s2;
	_ =	strace s9  }
0x27: {  	s1 =	sld [smem:$0x3FAA]  }
0x28: {  	s2 =	sld [smem:$0x3FAB]  }
0x29: {  	s4 =	sld [smem:$0x3FAD]  }
0x2a: {  	p0 =	seq.s32 s5, $0x0;
	s5 =	sld [smem:$0x3FAE]  }
0x2b: {  	s6 =	sld [smem:$0x3FAF]  }
0x2c: {  	s7 =	sld [smem:$0x3FB0]  }
0x2d: {  	s3 =	simm.s32 $0x108;
	s8 =	sld [smem:$0x3FB1]  }
0x2e: {  	s3 =	simm.s32 @!p0 $0x1082;
	s9 =	sld [smem:$0x3FB2]  }
0x2f: {  	lr =	sadd.s32 s0, s3;
	s0 =	sld [smem:$0x3FA9]  }
0x30: {  	s3 =	sld [smem:$0x3FAC]  }
0x31: {  	[smem:$0x3FB5] =	sst s10  }
0x32: {  	s10 =	sld [smem:$0x3FB3];
	_ =	sdelay $0x3  }
0x33: {  	p0 =	seq.s32 s10, $0x1;
	s10 =	sld [smem:$0x3FB5];
	_ =	sdelay $0x3  }
0x34: {  	[smem:$0x3FB5] =	sst s10  }
0x35: {  	s10 =	sld [smem:$0x3FB4];
	_ =	sdelay $0x3  }
0x36: {  	p1 =	seq.s32 s10, $0x1;
	s10 =	sld [smem:$0x3FB5];
	_ =	sdelay $0x3  }
0x37: {  	[smem:$0x3FB5] =	sst s10  }
0x38: {  	s10 =	sld [smem:$0x3FB6]  }
0x39: {  	_ = 	snop;
	(pc) =	sbr.ind lr, $3  }
0x3a: {  	_ = 	snop  }
0x3b: {  	_ = 	snop  }
0x3c: {  	p2 =	seq.s32 s10, $0x1;
	s10 =	sld [smem:$0x3FB5]  }
0x3d: {  	_ =	shalt  }
0x3e: {  	_ =	shalt  }
0x3f: {  	_ =	shalt  }
0x40: {  	_ =	shalt  }
0x41: {  	_ =	shalt  }
0x42: {  	_ =	shalt  }
0x43: {  	_ =	shalt  }
0x44: {  	_ =	shalt  }
0x45: {  	_ =	shalt  }
0x46: {  	_ =	shalt  }
0x47: {  	_ =	shalt  }
0x48: {  	_ =	shalt  }
0x49: {  	_ =	shalt  }
0x4a: {  	_ =	shalt  }
0x4b: {  	_ =	shalt  }
0x4c: {  	_ =	shalt  }
0x4d: {  	_ =	shalt  }
0x4e: {  	_ =	shalt  }
0x4f: {  	_ =	shalt  }
0x50: {  	_ =	shalt  }
0x51: {  	_ =	shalt  }
0x52: {  	_ =	shalt  }
0x53: {  	_ =	shalt  }
0x54: {  	_ =	shalt  }
0x55: {  	_ =	shalt  }
0x56: {  	_ =	shalt  }
0x57: {  	_ =	shalt  }
0x58: {  	_ =	shalt  }
0x59: {  	_ =	shalt  }
0x5a: {  	_ =	shalt  }
0x5b: {  	_ =	shalt  }
0x5c: {  	_ =	shalt  }
0x5d: {  	_ =	shalt  }
0x5e: {  	_ =	shalt  }
0x5f: {  	_ =	shalt  }
0x60: {  	_ =	shalt  }
0x61: {  	_ =	shalt  }
0x62: {  	_ =	shalt  }
0x63: {  	_ =	shalt  }
0x64: {  	_ =	shalt  }
0x65: {  	_ =	shalt  }
0x66: {  	_ =	shalt  }
0x67: {  	_ =	shalt  }
0x68: {  	_ =	shalt  }
0x69: {  	_ =	shalt  }
0x6a: {  	_ =	shalt  }
0x6b: {  	_ =	shalt  }
0x6c: {  	_ =	shalt  }
0x6d: {  	_ =	shalt  }
0x6e: {  	_ =	shalt  }
0x6f: {  	_ =	shalt  }
0x70: {  	_ =	shalt  }
0x71: {  	_ =	shalt  }
0x72: {  	_ =	shalt  }
0x73: {  	_ =	shalt  }
0x74: {  	_ =	shalt  }
0x75: {  	_ =	shalt  }
0x76: {  	_ =	shalt  }
0x77: {  	_ =	shalt  }
0x78: {  	_ =	shalt  }
0x79: {  	_ =	shalt  }
0x7a: {  	_ =	shalt  }
0x7b: {  	_ =	shalt  }
0x7c: {  	_ =	shalt  }
0x7d: {  	_ =	shalt  }
0x7e: {  	_ =	shalt  }
0x7f: {  	_ =	shalt  }
0x80: {  	_ =	shalt  }
0x81: {  	_ =	shalt  }
0x82: {  	_ =	shalt  }
0x83: {  	_ =	shalt  }
0x84: {  	_ =	shalt  }
0x85: {  	_ =	shalt  }
0x86: {  	_ =	shalt  }
0x87: {  	_ =	shalt  }
.Lfunc_end0:
.L_simem_size_0:
called_computation.3_lowered:
.L_overlay_start_0:
0x88: {  	s2 =	sld [smem:$0x3FD9]  }
0x89: {  	s3 =	sld [smem:$0x3FFE];
	_ =	sdelay $0x1  }
0x8a: {  	s1 =	srdreg.scid  }
0x8b: {  	s0 =	sand.u32 $0x1, s1  }
0x8c: {  	s17 =	sshll.u32 s0, $0xA;
	s2 =	sadd.s32 s3, s2  }
0x8d: {  	s2 =	sadd.s32 s2, s17  }
0x8e: {  	[smem:$0x3FC1] =	sst s2  }
0x8f: {  	_ = 	snop  }
0x90: {  	s2 =	sld [smem:$0x3FD0];
	(tm) =	ssettm $0x1  }
0x91: {  	s18 =	sld [smem:$0x3FFB];
	_ =	sdelay $0x3  }
0x92: {  	_ =	strace s18  }
0x93: {  	s3 =	sld [smem:$0x3FFC];
	_ =	sdelay $0x3  }
0x94: {  	_ =	strace s3  }
0x95: {  	s3 =	sld [smem:$0x3FFD];
	_ =	sdelay $0x3  }
0x96: {  	_ =	strace s3  }
0x97: {  	_ =	strace $0x8FFFFFFF  }
0x98: {  	s19 =	sld [smem:$0x3FDB];
	_ =	sdelay $0x1  }
0x99: {  	s4 =	simm.s32 $_scs_section_size  }
0x9a: {  	s5 =	simm.s32 $_size__tile_overlayer_lowered;
	s6 =	simm.s32 $_tile_overlayer_lowered  }
0x9b: {  	s22 =	simm.s32 $0x1BFF;
	s21 =	sshll.u32 s6, $0x1;
	s3 =	sadd.s32 s4, s19  }
0x9c: {  	s7 =	simm.s32 $0x0;
	s20 =	sshll.u32 s5, $0x1;
	s5 =	sadd.s32 s21, s3  }
0x9d: {  	[timem:s7], [sflag:s22] =	dma.local [hbm:s5], s20  }
0x9e: {  	_ =	swait.ge [sflag:s22], s20  }
0x9f: {  	s4 =	ssub.s32 $0x0, s20;
	[sflag:s22] =	ssyncset.done $0x0  }
0xa0: {  	[sflag:s22] =	ssyncadd.s32 s4;
	_ =	sdelay $0x1  }
0xa1: {  	s23 =	simm.s32 $0x1B8B  }
0xa2: {  	_ =	swait.ge [sflag:s23], $0x1  }
0xa3: {  	[sflag:s23] =	ssyncset.done $0x0  }
0xa4: {  	s25 =	simm.s32 $0x1B8E;
	s24 =	sld [smem:$0x3FFE];
	[sflag:s23] =	ssyncadd.s32 $0xFFFFFFFF  }
0xa5: {  	s26 =	simm.s32 $execute0_lowered;
	[smem:$0x3FD2] =	sst s25  }
0xa6: {  	s5 =	sshll.u32 s26, $0x1;
	_ =	strace $0x8000004F;
	[dreg:$0x1] =	wrdreg $0xFFFFFFFF  }
0xa7: {  	s28 =	simm.s32 $_size_execute0_lowered;
	s3 =	sadd.s32 s3, s5;
	[dreg:$0x0] =	wrdreg $0x0  }
0xa8: {  	s5 =	sshll.u32 s28, $0x1;
	[dreg:$0x2] =	wrdreg s3  }
0xa9: {  	[dreg:$0x3] =	wrdreg s5  }
0xaa: {  	[dreg:$0x4] =	wrdreg $0xC0  }
0xab: {  	_ =	task [dreg:s7], $0x5FFFF  }
0xac: {  	[dreg:$0x1] =	wrdreg $0xFFFFFFFF  }
0xad: {  	[dreg:$0x0] =	wrdreg $0x60  }
0xae: {  	[dreg:$0x2] =	wrdreg s24  }
0xaf: {  	[dreg:$0x3] =	wrdreg s2  }
0xb0: {  	[dreg:$0x4] =	wrdreg $0xB0000  }
0xb1: {  	[dreg:$0x5] =	wrdreg $0x9  }
0xb2: {  	_ =	task.clear_ibuf [dreg:s7], $0x6FFFF;
	_ =	strace $0x9000004F  }
0xb3: {  	s29 =	simm.s32 $0x9;
	_ =	strace $0x80000051  }
0xb4: {  	_ =	swait.ge [sflag:s29], $0x1  }
0xb5: {  	[sflag:s29] =	ssyncadd.s32 $0xFFFFFFFF  }
0xb6: {  	_ =	strace $0x90000051  }
0xb7: {  	_ =	sfence  }
0xb8: {  	s30 =	sld [smem:$0x0];
	_ =	sdelay $0x2  }
0xb9: {  	s31 =	sshll.u32 s1, $0xD;
	s1 =	sshrl.u32 s1, $0x2  }
0xba: {  	s3 =	sand.u32 $0x4000, s31;
	s1 =	sadd.s32 s1, s30  }
0xbb: {  	s0 =	sor.u32 s3, s0;
	s1 =	sshll.u32 s1, $0x11  }
0xbc: {  	s0 =	sor.u32 s1, s0  }
0xbd: {  	s0 =	sadd.s32 $0x8F2B, s0  }
0xbe: {  	[sflag:s0] =	ssyncadd.remote.s32 $0x1  }
0xbf: {  	_ =	sfence.sel $0xFFFF  }
0xc0: {  	[dreg:$0x0] =	wrdreg $0xFFFFFFFF;
	(pc) =	sbr.abs _section_cstart, $3  }
0xc1: {  	[dreg:$0x1] =	wrdreg $0xFFFFFFFF  }
0xc2: {  	_ =	task.clear_ibuf [dreg:s7], $0x2FFFF;
	_ =	strace $0x9FFFFFFF  }
0xc3: {  	(tm) =	ssettm $0x7FFFFFFF  }
tec
execute0_lowered:
.L_overlay_start_1:
0x0: {  	(tag) =	ssettag $0x1  }
0x1: {  	s7 =	rddreg [dreg:$0x0]  }
0x2: {  	s0 =	srdreg.scid;
	s8 =	rddreg [dreg:$0x1]  }
0x3: {  	s2 =	rddreg [dreg:$0x2];
	s3 =	simm.s32 $0x0;
	s14 =	simm.s32 $0x80  }
0x4: {  	s15 =	simm.s32 $0x7000;
	s16 =	simm.s32 $0x1;
	s6 =	sand.u32 $0x1, s0  }
0x5: {  	s17 =	simm.s32 $0x0;
	s0 =	stileid.u32;
	s5 =	smul.u32 $0x140000, s6  }
0x6: {  	[smem:$0x7FF] =	sst s3;
	s4 =	sadd.s32 $0x14000, s7;
	s10 =	smul.u32 $0x14000, s0  }
0x7: {  	s1 =	sshll.u32 s6, $0x4;
	s12 =	ssub.s32 $0x2, s6;
	s13 =	smul.u32 $0x50000, s0  }
0x8: {  	p0 =	seq.s32 s6, $0x0;
	s6 =	simm.s32 $0x6E;
	s31 =	sshll.u32 s0, $0x6  }
0x9: {  	s1 =	sor.u32 s0, s1;
	s29 =	sshrl.u32 s12, $0x1;
	s6 =	simm.s32 @!p0 $0x30  }
0xa: {  	s9 =	smul.u32 $0x700, s1;
	s1 =	rddreg [dreg:$0x3];
	_ =	strace $0x80000050  }
0xb: {  	s10 =	sadd.s32 s10, s5;
	s5 =	sadd.s32 $0x8C000, s7;
	s30 =	sshrl.u32 s13, $0x2  }
0xc: {  	s12 =	ssub.s32 s12, s29;
	s10 =	sshrl.u32 s10, $0x3;
	s13 =	sadd.s32 s30, s2  }
0xd: {  	s11 =	sadd.s32 s9, s7;
	s10 =	sadd.s32 s10, s7;
	s8 =	sadd.s32 s8, s9  }
0xe: {  	s13 =	sshrl.u32 s13, $0x3;
	s7 =	sadd.s32 $0x6000, s11;
	s9 =	sadd.s32 $0x8E800, s10  }
0xf: {  	s10 =	smax.u32 s12, $0x1;
	s11 =	simm.s32 $0x2;
	s12 =	sor.u32 $0x1C02, s31  }
.LBB2_1:
0x10: {  	[tilespmem:s3], [sflag:$0x2] =	stream.linear.gather [hbm4b:s7+s3], $0x3700, $0x38;
	[tilespmem:$0x1F000] =	vst v63  }
0x11: {  	_ =	swait.ge [sflag:s11], $0x3700  }
0x12: {  	[sflag:s11] =	ssyncset.done $0x0  }
0x13: {  	s18 =	simm.s32 $0x3800;
	[sflag:s11] =	ssyncadd.s32 $0xFFFFC900  }
0x14: {  	[tilespmem:s18], [sflag:$0x2] =	stream.linear.gather [hbm4b:s8+s3], $0x3700, $0x38;
	[tilespmem:$0x1F000] =	vst v63  }
0x15: {  	_ =	swait.ge [sflag:s11], $0x3700  }
0x16: {  	[sflag:s11] =	ssyncset.done $0x0  }
0x17: {  	[sflag:s11] =	ssyncadd.s32 $0xFFFFC900  }
0x18: {  	[spmem:s13], [sflag:s12] =	dma.local [hbm:s5], $0x2800  }
0x19: {  	_ =	swait.ge [sflag:s11], $0x2800  }
0x1a: {  	[sflag:s11] =	ssyncset.done $0x0  }
0x1b: {  	[sflag:s11] =	ssyncadd.s32 $0xFFFFD800  }
0x1c: {  	[bflag:$0x0] =	sbarrier.arrive $0xFFFF  }
0x1d: {  	[tilespmem:s15], [sflag:$0x1] =	stream.indirect.gather [hbm4b:s4+s14], $0x80, s3, s14, $0xb8;
	[tilespmem:$0x1F000] =	vst v63  }
0x1e: {  	p0 =	sne.s32 s6, $0x1;
	_ =	swait.ge [sflag:s16], $0x4000  }
.Ltmp0:
0x1f: {  	[sflag:s16] =	ssyncset.done $0x0;
	(pc) =	sbr.rel @!p0 .LBB2_3-.Ltmp0, $4  }
0x20: {  	[sflag:s16] =	ssyncadd.s32 $0xFFFFC000  }
0x21: {  	[spmem:s2] =	stream.indirect.scatter.add.f32 [tilespmem:s15], [sflag:$0x2], $0x80, s18, s14, $0xb8;
	[tilespmem:$0x1F000] =	vst v63  }
0x22: {  	_ =	swait.ge [sflag:s11], $0x4000  }
0x23: {  	s19 =	sadd.s32 $0xFFFFFFFF, s6;
	s20 =	simm.s32 $0x0;
	[sflag:s11] =	ssyncset.done $0x0  }
.LBB2_2:
0x24: {  	[sflag:s11] =	ssyncadd.s32 $0xFFFFC000;
	s20 =	sadd.s32 $0x80, s20;
	s18 =	sadd.s32 $0x80, s18  }
0x25: {  	[tilespmem:s15], [sflag:$0x1] =	stream.indirect.gather [hbm4b:s4+s14], $0x80, s20, s14, $0xb8;
	[tilespmem:$0x1F000] =	vst v63  }
0x26: {  	p0 =	sne.s32 s19, $0x1;
	s19 =	sadd.s32 $0xFFFFFFFF, s19;
	_ =	swait.ge [sflag:s16], $0x4000  }
.Ltmp1:
0x27: {  	[sflag:s16] =	ssyncset.done $0x0;
	(pc) =	sbr.rel @p0 .LBB2_2-.Ltmp1, $4  }
0x28: {  	[sflag:s16] =	ssyncadd.s32 $0xFFFFC000  }
0x29: {  	[spmem:s2] =	stream.indirect.scatter.add.f32 [tilespmem:s15], [sflag:$0x2], $0x80, s18, s14, $0xb8;
	[tilespmem:$0x1F000] =	vst v63  }
0x2a: {  	_ =	swait.ge [sflag:s11], $0x4000  }
0x2b: {  	[sflag:s11] =	ssyncset.done $0x0  }
.LBB2_3:
0x2c: {  	s17 =	sadd.s32 $0x1, s17  }
0x2d: {  	[sflag:s11] =	ssyncadd.s32 $0xFFFFC000;
	p0 =	sne.s32 s17, s10  }
.Ltmp2:
0x2e: {  	[bflag:$0x0] =	sbarrier.arrive $0xFFFF;
	(pc) =	sbr.rel @p0 .LBB2_1-.Ltmp2, $4  }
0x2f: {  	[hbm:s9], [sflag:s12] =	dma.local [spmem:s13], $0x2800  }
0x30: {  	_ =	swait.ge [sflag:s11], $0x2800  }
0x31: {  	[sflag:s11] =	ssyncset.done $0x0  }
0x32: {  	[sflag:s11] =	ssyncadd.s32 $0xFFFFD800  }
0x33: {  	_ =	sfence.sel $0x180000  }
0x34: {  	[bflag:$0x0] =	sbarrier.arrive $0xFFFF  }
0x35: {  	p0 =	sne.s32 s0, $0x0;
	_ =	strace $0x90000050  }
0x36: {  	s0 =	sadd.s32 @!p0 $0x100000, s1;
	[bflag:$0x2] =	sbarrier.arrive $0xFFFF  }
0x37: {  	[sflag:s0] =	ssyncadd.tile.s32 @!p0 $0x1;
	_ =	shalt  }
.Lfunc_end2:
_tile_overlayer_lowered:
.L_overlay_start_2:
0x38: {  	(tag) =	ssettag $0x2  }
0x39: {  	s0 =	rddreg [dreg:$0x0];
	s2 =	stileid.u32  }
0x3a: {  	s1 =	rddreg [dreg:$0x1];
	p0 =	sne.s32 s2, $0x0  }
0x3b: {  	s3 =	rddreg [dreg:$0x2];
	[bflag:$0x3] =	sbarrier.arrive $0xFFFF;
	s2 =	simm.s32 @!p0 $0x1C02  }
0x3c: {  	[timem:s3], [sflag:s2] =	dma.local @!p0 [hbm:s0], s1  }
0x3d: {  	s0 =	simm.s32 @!p0 $0x2  }
0x3e: {  	_ =	swait.ge @!p0 [sflag:s0], s1  }
0x3f: {  	s1 =	ssub.s32 @!p0 $0x0, s1;
	[sflag:s0] =	ssyncset.done @!p0 $0x0  }
0x40: {  	[sflag:s0] =	ssyncadd.s32 @!p0 s1  }
0x41: {  	[bflag:$0x3] =	sbarrier.arrive $0xFFFF  }
0x42: {  	_ =	shalt  }

// kernel: kernel.24.cloned.1.call-start
scs
__scs_entry_jumppad:
0x0: {  	(pc) =	sbr.rel $0x88, $3  }
0x1: {  	(tag) =	ssettag $0x0;
	lr =	simm.s32 $0x1  }
0x2: {  	[smem:$0x3F9A] =	sst lr;
	_ =	strace $0xD0000000  }
0x3: {  	_ = 	snop  }
0x4: {  	_ = 	snop  }
0x5: {  	_ = 	snop  }
0x6: {  	_ = 	snop  }
0x7: {  	_ = 	snop  }
__scs_overlays_trampoline_lowered:
0x8: {  	[smem:$0x3FA9] =	sst s0  }
0x9: {  	[smem:$0x3FAA] =	sst s1  }
0xa: {  	[smem:$0x3FAB] =	sst s2  }
0xb: {  	[smem:$0x3FAC] =	sst s3  }
0xc: {  	[smem:$0x3FAD] =	sst s4  }
0xd: {  	[smem:$0x3FAE] =	sst s5  }
0xe: {  	[smem:$0x3FAF] =	sst s6  }
0xf: {  	[smem:$0x3FB0] =	sst s7  }
0x10: {  	[smem:$0x3FB1] =	sst s8  }
0x11: {  	[smem:$0x3FB2] =	sst s9;
	s0 =	simm.s32 @!p0 $0x0  }
0x12: {  	s1 =	sld [smem:$0x3F98];
	s0 =	simm.s32 @p0 $0x1  }
0x13: {  	[smem:$0x3FB3] =	sst s0;
	s0 =	simm.s32 @!p1 $0x0  }
0x14: {  	s2 =	sld [smem:$0x3F97];
	s0 =	simm.s32 @p1 $0x1  }
0x15: {  	[smem:$0x3FB4] =	sst s0;
	s0 =	simm.s32 @!p2 $0x0  }
0x16: {  	s3 =	sld [smem:$0x3FDB];
	s0 =	simm.s32 @p2 $0x1  }
0x17: {  	s4 =	simm.s32 $0x1BF5;
	[smem:$0x3FB6] =	sst s0  }
0x18: {  	s0 =	sld [smem:$0x3F99];
	_ =	swait.ge [sflag:s4], $0x0  }
0x19: {  	s7 =	sld [smem:$0x3F9A]  }
0x1a: {  	s8 =	sadd.s32 $0xFFFFE003, lr  }
0x1b: {  	s9 =	sadd.s32 $0xFFFFFEF7, lr;
	s5 =	simm.s32 $0xFFFFFFFF;
	p2 =	slt.u32 s8, $0xFFFFF086  }
0x1c: {  	p1 =	slt.u32 s9, $0xF7A;
	s5 =	simm.s32 @!p2 $0x0  }
0x1d: {  	s5 =	simm.s32 @p1 $0x1;
	p0 =	seq.s32 s7, s2  }
0x1e: {  	s7 =	smul.u32 @!p0 $0xF7A, s2;
	p2 =	seq.s32 @!p0 s5, $0x0  }
0x1f: {  	s9 =	smul.u32 $0xF7A, s1;
	s8 =	simm.s32 @!p0 $0x1BF5;
	p2 =	por !p2, p0  }
0x20: {  	[sflag:s8] =	ssyncset.s32 @!p0 $0xFFFFF086;
	s6 =	sadd.s32 @!p0 s3, s7;
	s7 =	simm.s32 @!p0 $0x108  }
0x21: {  	s3 =	sadd.s32 s3, s9;
	s6 =	sadd.s32 @!p0 $0x88, s6;
	s7 =	simm.s32 @p2 $0x1082  }
0x22: {  	[simem:s7], [sflag:s8] =	dma.local @!p0 [hbm:s6], $0xF7A  }
0x23: {  	s9 =	sor.u32 $0xD0000000, s2;
	s6 =	simm.s32 $0x108;
	_ =	swait.ge @!p0 [sflag:s8], $0x0  }
0x24: {  	s3 =	sadd.s32 $0x88, s3;
	s6 =	simm.s32 @!p1 $0x1082;
	[sflag:s4] =	ssyncset.s32 $0xFFFFF086  }
0x25: {  	[simem:s6], [sflag:s4] =	dma.local [hbm:s3], $0xF7A  }
0x26: {  	[smem:$0x3F9A] =	sst s1;
	(tag) =	ssettag s2;
	_ =	strace s9  }
0x27: {  	s1 =	sld [smem:$0x3FAA]  }
0x28: {  	s2 =	sld [smem:$0x3FAB]  }
0x29: {  	s4 =	sld [smem:$0x3FAD]  }
0x2a: {  	p0 =	seq.s32 s5, $0x0;
	s5 =	sld [smem:$0x3FAE]  }
0x2b: {  	s6 =	sld [smem:$0x3FAF]  }
0x2c: {  	s7 =	sld [smem:$0x3FB0]  }
0x2d: {  	s3 =	simm.s32 $0x108;
	s8 =	sld [smem:$0x3FB1]  }
0x2e: {  	s3 =	simm.s32 @!p0 $0x1082;
	s9 =	sld [smem:$0x3FB2]  }
0x2f: {  	lr =	sadd.s32 s0, s3;
	s0 =	sld [smem:$0x3FA9]  }
0x30: {  	s3 =	sld [smem:$0x3FAC]  }
0x31: {  	[smem:$0x3FB5] =	sst s10  }
0x32: {  	s10 =	sld [smem:$0x3FB3];
	_ =	sdelay $0x3  }
0x33: {  	p0 =	seq.s32 s10, $0x1;
	s10 =	sld [smem:$0x3FB5];
	_ =	sdelay $0x3  }
0x34: {  	[smem:$0x3FB5] =	sst s10  }
0x35: {  	s10 =	sld [smem:$0x3FB4];
	_ =	sdelay $0x3  }
0x36: {  	p1 =	seq.s32 s10, $0x1;
	s10 =	sld [smem:$0x3FB5];
	_ =	sdelay $0x3  }
0x37: {  	[smem:$0x3FB5] =	sst s10  }
0x38: {  	s10 =	sld [smem:$0x3FB6]  }
0x39: {  	_ = 	snop;
	(pc) =	sbr.ind lr, $3  }
0x3a: {  	_ = 	snop  }
0x3b: {  	_ = 	snop  }
0x3c: {  	p2 =	seq.s32 s10, $0x1;
	s10 =	sld [smem:$0x3FB5]  }
0x3d: {  	_ =	shalt  }
0x3e: {  	_ =	shalt  }
0x3f: {  	_ =	shalt  }
0x40: {  	_ =	shalt  }
0x41: {  	_ =	shalt  }
0x42: {  	_ =	shalt  }
0x43: {  	_ =	shalt  }
0x44: {  	_ =	shalt  }
0x45: {  	_ =	shalt  }
0x46: {  	_ =	shalt  }
0x47: {  	_ =	shalt  }
0x48: {  	_ =	shalt  }
0x49: {  	_ =	shalt  }
0x4a: {  	_ =	shalt  }
0x4b: {  	_ =	shalt  }
0x4c: {  	_ =	shalt  }
0x4d: {  	_ =	shalt  }
0x4e: {  	_ =	shalt  }
0x4f: {  	_ =	shalt  }
0x50: {  	_ =	shalt  }
0x51: {  	_ =	shalt  }
0x52: {  	_ =	shalt  }
0x53: {  	_ =	shalt  }
0x54: {  	_ =	shalt  }
0x55: {  	_ =	shalt  }
0x56: {  	_ =	shalt  }
0x57: {  	_ =	shalt  }
0x58: {  	_ =	shalt  }
0x59: {  	_ =	shalt  }
0x5a: {  	_ =	shalt  }
0x5b: {  	_ =	shalt  }
0x5c: {  	_ =	shalt  }
0x5d: {  	_ =	shalt  }
0x5e: {  	_ =	shalt  }
0x5f: {  	_ =	shalt  }
0x60: {  	_ =	shalt  }
0x61: {  	_ =	shalt  }
0x62: {  	_ =	shalt  }
0x63: {  	_ =	shalt  }
0x64: {  	_ =	shalt  }
0x65: {  	_ =	shalt  }
0x66: {  	_ =	shalt  }
0x67: {  	_ =	shalt  }
0x68: {  	_ =	shalt  }
0x69: {  	_ =	shalt  }
0x6a: {  	_ =	shalt  }
0x6b: {  	_ =	shalt  }
0x6c: {  	_ =	shalt  }
0x6d: {  	_ =	shalt  }
0x6e: {  	_ =	shalt  }
0x6f: {  	_ =	shalt  }
0x70: {  	_ =	shalt  }
0x71: {  	_ =	shalt  }
0x72: {  	_ =	shalt  }
0x73: {  	_ =	shalt  }
0x74: {  	_ =	shalt  }
0x75: {  	_ =	shalt  }
0x76: {  	_ =	shalt  }
0x77: {  	_ =	shalt  }
0x78: {  	_ =	shalt  }
0x79: {  	_ =	shalt  }
0x7a: {  	_ =	shalt  }
0x7b: {  	_ =	shalt  }
0x7c: {  	_ =	shalt  }
0x7d: {  	_ =	shalt  }
0x7e: {  	_ =	shalt  }
0x7f: {  	_ =	shalt  }
0x80: {  	_ =	shalt  }
0x81: {  	_ =	shalt  }
0x82: {  	_ =	shalt  }
0x83: {  	_ =	shalt  }
0x84: {  	_ =	shalt  }
0x85: {  	_ =	shalt  }
0x86: {  	_ =	shalt  }
0x87: {  	_ =	shalt  }
.Lfunc_end0:
.L_simem_size_0:
called_computation.4_lowered:
.L_overlay_start_0:
0x88: {  	s2 =	sld [smem:$0x3FD9]  }
0x89: {  	s3 =	sld [smem:$0x3FFE];
	_ =	sdelay $0x1  }
0x8a: {  	s1 =	srdreg.scid  }
0x8b: {  	s0 =	sand.u32 $0x1, s1  }
0x8c: {  	s17 =	sshll.u32 s0, $0xA;
	s2 =	sadd.s32 s3, s2  }
0x8d: {  	s2 =	sadd.s32 s2, s17  }
0x8e: {  	[smem:$0x3FC1] =	sst s2  }
0x8f: {  	_ = 	snop  }
0x90: {  	s2 =	sld [smem:$0x3FD0];
	(tm) =	ssettm $0x1  }
0x91: {  	s18 =	sld [smem:$0x3FFB];
	_ =	sdelay $0x3  }
0x92: {  	_ =	strace s18  }
0x93: {  	s3 =	sld [smem:$0x3FFC];
	_ =	sdelay $0x3  }
0x94: {  	_ =	strace s3  }
0x95: {  	s3 =	sld [smem:$0x3FFD];
	_ =	sdelay $0x3  }
0x96: {  	_ =	strace s3  }
0x97: {  	_ =	strace $0x8FFFFFFF  }
0x98: {  	s19 =	sld [smem:$0x3FDB];
	_ =	sdelay $0x1  }
0x99: {  	s4 =	simm.s32 $_scs_section_size  }
0x9a: {  	s5 =	simm.s32 $_size__tile_overlayer_lowered;
	s6 =	simm.s32 $_tile_overlayer_lowered  }
0x9b: {  	s22 =	simm.s32 $0x1BFF;
	s21 =	sshll.u32 s6, $0x1;
	s3 =	sadd.s32 s4, s19  }
0x9c: {  	s7 =	simm.s32 $0x0;
	s20 =	sshll.u32 s5, $0x1;
	s5 =	sadd.s32 s21, s3  }
0x9d: {  	[timem:s7], [sflag:s22] =	dma.local [hbm:s5], s20  }
0x9e: {  	_ =	swait.ge [sflag:s22], s20  }
0x9f: {  	s4 =	ssub.s32 $0x0, s20;
	[sflag:s22] =	ssyncset.done $0x0  }
0xa0: {  	[sflag:s22] =	ssyncadd.s32 s4;
	_ =	sdelay $0x1  }
0xa1: {  	s23 =	simm.s32 $0x1B8B  }
0xa2: {  	_ =	swait.ge [sflag:s23], $0x1  }
0xa3: {  	[sflag:s23] =	ssyncset.done $0x0  }
0xa4: {  	s25 =	simm.s32 $0x1B8E;
	s24 =	sld [smem:$0x3FFE];
	[sflag:s23] =	ssyncadd.s32 $0xFFFFFFFF  }
0xa5: {  	s26 =	simm.s32 $execute0_lowered;
	[smem:$0x3FD2] =	sst s25  }
0xa6: {  	s5 =	sshll.u32 s26, $0x1;
	_ =	strace $0x80000052;
	[dreg:$0x1] =	wrdreg $0xFFFFFFFF  }
0xa7: {  	s28 =	simm.s32 $_size_execute0_lowered;
	s3 =	sadd.s32 s3, s5;
	[dreg:$0x0] =	wrdreg $0x0  }
0xa8: {  	s5 =	sshll.u32 s28, $0x1;
	[dreg:$0x2] =	wrdreg s3  }
0xa9: {  	[dreg:$0x3] =	wrdreg s5  }
0xaa: {  	[dreg:$0x4] =	wrdreg $0xC0  }
0xab: {  	_ =	task [dreg:s7], $0x5FFFF  }
0xac: {  	[dreg:$0x1] =	wrdreg $0xFFFFFFFF  }
0xad: {  	[dreg:$0x0] =	wrdreg $0x60  }
0xae: {  	[dreg:$0x2] =	wrdreg s24  }
0xaf: {  	[dreg:$0x3] =	wrdreg s2  }
0xb0: {  	[dreg:$0x4] =	wrdreg $0xB0000  }
0xb1: {  	[dreg:$0x5] =	wrdreg $0x9  }
0xb2: {  	_ =	task.clear_ibuf [dreg:s7], $0x6FFFF;
	_ =	strace $0x90000052  }
0xb3: {  	s29 =	simm.s32 $0x9;
	_ =	strace $0x80000054  }
0xb4: {  	_ =	swait.ge [sflag:s29], $0x1  }
0xb5: {  	[sflag:s29] =	ssyncadd.s32 $0xFFFFFFFF  }
0xb6: {  	_ =	strace $0x90000054  }
0xb7: {  	_ =	sfence  }
0xb8: {  	s30 =	sld [smem:$0x0];
	_ =	sdelay $0x2  }
0xb9: {  	s31 =	sshll.u32 s1, $0xD;
	s1 =	sshrl.u32 s1, $0x2  }
0xba: {  	s3 =	sand.u32 $0x4000, s31;
	s1 =	sadd.s32 s1, s30  }
0xbb: {  	s0 =	sor.u32 s3, s0;
	s1 =	sshll.u32 s1, $0x11  }
0xbc: {  	s0 =	sor.u32 s1, s0  }
0xbd: {  	s0 =	sadd.s32 $0x8F2B, s0  }
0xbe: {  	[sflag:s0] =	ssyncadd.remote.s32 $0x1  }
0xbf: {  	_ =	sfence.sel $0xFFFF  }
0xc0: {  	[dreg:$0x0] =	wrdreg $0xFFFFFFFF;
	(pc) =	sbr.abs _section_cstart, $3  }
0xc1: {  	[dreg:$0x1] =	wrdreg $0xFFFFFFFF  }
0xc2: {  	_ =	task.clear_ibuf [dreg:s7], $0x2FFFF;
	_ =	strace $0x9FFFFFFF  }
0xc3: {  	(tm) =	ssettm $0x7FFFFFFF  }
tec
execute0_lowered:
.L_overlay_start_1:
0x0: {  	(tag) =	ssettag $0x1  }
0x1: {  	s7 =	rddreg [dreg:$0x0]  }
0x2: {  	s0 =	srdreg.scid;
	s8 =	rddreg [dreg:$0x1]  }
0x3: {  	s2 =	rddreg [dreg:$0x2];
	s3 =	simm.s32 $0x0;
	s14 =	simm.s32 $0x80  }
0x4: {  	s15 =	simm.s32 $0x7000;
	s16 =	simm.s32 $0x1;
	s6 =	sand.u32 $0x1, s0  }
0x5: {  	s17 =	simm.s32 $0x0;
	s0 =	stileid.u32;
	s5 =	smul.u32 $0x140000, s6  }
0x6: {  	[smem:$0x7FF] =	sst s3;
	s4 =	sadd.s32 $0x14000, s7;
	s10 =	smul.u32 $0x14000, s0  }
0x7: {  	s1 =	sshll.u32 s6, $0x4;
	s12 =	ssub.s32 $0x2, s6;
	s13 =	smul.u32 $0x50000, s0  }
0x8: {  	p0 =	seq.s32 s6, $0x0;
	s6 =	simm.s32 $0x6E;
	s31 =	sshll.u32 s0, $0x6  }
0x9: {  	s1 =	sor.u32 s0, s1;
	s29 =	sshrl.u32 s12, $0x1;
	s6 =	simm.s32 @!p0 $0x30  }
0xa: {  	s9 =	smul.u32 $0x700, s1;
	s1 =	rddreg [dreg:$0x3];
	_ =	strace $0x80000053  }
0xb: {  	s10 =	sadd.s32 s10, s5;
	s5 =	sadd.s32 $0x8C000, s7;
	s30 =	sshrl.u32 s13, $0x2  }
0xc: {  	s12 =	ssub.s32 s12, s29;
	s10 =	sshrl.u32 s10, $0x3;
	s13 =	sadd.s32 s30, s2  }
0xd: {  	s11 =	sadd.s32 s9, s7;
	s10 =	sadd.s32 s10, s7;
	s8 =	sadd.s32 s8, s9  }
0xe: {  	s13 =	sshrl.u32 s13, $0x3;
	s7 =	sadd.s32 $0x6000, s11;
	s9 =	sadd.s32 $0x8E800, s10  }
0xf: {  	s10 =	smax.u32 s12, $0x1;
	s11 =	simm.s32 $0x2;
	s12 =	sor.u32 $0x1C02, s31  }
.LBB2_1:
0x10: {  	[tilespmem:s3], [sflag:$0x2] =	stream.linear.gather [hbm4b:s7+s3], $0x3700, $0x38;
	[tilespmem:$0x1F000] =	vst v63  }
0x11: {  	_ =	swait.ge [sflag:s11], $0x3700  }
0x12: {  	[sflag:s11] =	ssyncset.done $0x0  }
0x13: {  	s18 =	simm.s32 $0x3800;
	[sflag:s11] =	ssyncadd.s32 $0xFFFFC900  }
0x14: {  	[tilespmem:s18], [sflag:$0x2] =	stream.linear.gather [hbm4b:s8+s3], $0x3700, $0x38;
	[tilespmem:$0x1F000] =	vst v63  }
0x15: {  	_ =	swait.ge [sflag:s11], $0x3700  }
0x16: {  	[sflag:s11] =	ssyncset.done $0x0  }
0x17: {  	[sflag:s11] =	ssyncadd.s32 $0xFFFFC900  }
0x18: {  	[spmem:s13], [sflag:s12] =	dma.local [hbm:s5], $0x2800  }
0x19: {  	_ =	swait.ge [sflag:s11], $0x2800  }
0x1a: {  	[sflag:s11] =	ssyncset.done $0x0  }
0x1b: {  	[sflag:s11] =	ssyncadd.s32 $0xFFFFD800  }
0x1c: {  	[bflag:$0x0] =	sbarrier.arrive $0xFFFF  }
0x1d: {  	[tilespmem:s15], [sflag:$0x1] =	stream.indirect.gather [hbm4b:s4+s14], $0x80, s3, s14, $0xb8;
	[tilespmem:$0x1F000] =	vst v63  }
0x1e: {  	p0 =	sne.s32 s6, $0x1;
	_ =	swait.ge [sflag:s16], $0x4000  }
.Ltmp0:
0x1f: {  	[sflag:s16] =	ssyncset.done $0x0;
	(pc) =	sbr.rel @!p0 .LBB2_3-.Ltmp0, $4  }
0x20: {  	[sflag:s16] =	ssyncadd.s32 $0xFFFFC000  }
0x21: {  	[spmem:s2] =	stream.indirect.scatter.add.f32 [tilespmem:s15], [sflag:$0x2], $0x80, s18, s14, $0xb8;
	[tilespmem:$0x1F000] =	vst v63  }
0x22: {  	_ =	swait.ge [sflag:s11], $0x4000  }
0x23: {  	s19 =	sadd.s32 $0xFFFFFFFF, s6;
	s20 =	simm.s32 $0x0;
	[sflag:s11] =	ssyncset.done $0x0  }
.LBB2_2:
0x24: {  	[sflag:s11] =	ssyncadd.s32 $0xFFFFC000;
	s20 =	sadd.s32 $0x80, s20;
	s18 =	sadd.s32 $0x80, s18  }
0x25: {  	[tilespmem:s15], [sflag:$0x1] =	stream.indirect.gather [hbm4b:s4+s14], $0x80, s20, s14, $0xb8;
	[tilespmem:$0x1F000] =	vst v63  }
0x26: {  	p0 =	sne.s32 s19, $0x1;
	s19 =	sadd.s32 $0xFFFFFFFF, s19;
	_ =	swait.ge [sflag:s16], $0x4000  }
.Ltmp1:
0x27: {  	[sflag:s16] =	ssyncset.done $0x0;
	(pc) =	sbr.rel @p0 .LBB2_2-.Ltmp1, $4  }
0x28: {  	[sflag:s16] =	ssyncadd.s32 $0xFFFFC000  }
0x29: {  	[spmem:s2] =	stream.indirect.scatter.add.f32 [tilespmem:s15], [sflag:$0x2], $0x80, s18, s14, $0xb8;
	[tilespmem:$0x1F000] =	vst v63  }
0x2a: {  	_ =	swait.ge [sflag:s11], $0x4000  }
0x2b: {  	[sflag:s11] =	ssyncset.done $0x0  }
.LBB2_3:
0x2c: {  	s17 =	sadd.s32 $0x1, s17  }
0x2d: {  	[sflag:s11] =	ssyncadd.s32 $0xFFFFC000;
	p0 =	sne.s32 s17, s10  }
.Ltmp2:
0x2e: {  	[bflag:$0x0] =	sbarrier.arrive $0xFFFF;
	(pc) =	sbr.rel @p0 .LBB2_1-.Ltmp2, $4  }
0x2f: {  	[hbm:s9], [sflag:s12] =	dma.local [spmem:s13], $0x2800  }
0x30: {  	_ =	swait.ge [sflag:s11], $0x2800  }
0x31: {  	[sflag:s11] =	ssyncset.done $0x0  }
0x32: {  	[sflag:s11] =	ssyncadd.s32 $0xFFFFD800  }
0x33: {  	_ =	sfence.sel $0x180000  }
0x34: {  	[bflag:$0x0] =	sbarrier.arrive $0xFFFF  }
0x35: {  	p0 =	sne.s32 s0, $0x0;
	_ =	strace $0x90000053  }
0x36: {  	s0 =	sadd.s32 @!p0 $0x100000, s1;
	[bflag:$0x2] =	sbarrier.arrive $0xFFFF  }
0x37: {  	[sflag:s0] =	ssyncadd.tile.s32 @!p0 $0x1;
	_ =	shalt  }
.Lfunc_end2:
_tile_overlayer_lowered:
.L_overlay_start_2:
0x38: {  	(tag) =	ssettag $0x2  }
0x39: {  	s0 =	rddreg [dreg:$0x0];
	s2 =	stileid.u32  }
0x3a: {  	s1 =	rddreg [dreg:$0x1];
	p0 =	sne.s32 s2, $0x0  }
0x3b: {  	s3 =	rddreg [dreg:$0x2];
	[bflag:$0x3] =	sbarrier.arrive $0xFFFF;
	s2 =	simm.s32 @!p0 $0x1C02  }
0x3c: {  	[timem:s3], [sflag:s2] =	dma.local @!p0 [hbm:s0], s1  }
0x3d: {  	s0 =	simm.s32 @!p0 $0x2  }
0x3e: {  	_ =	swait.ge @!p0 [sflag:s0], s1  }
0x3f: {  	s1 =	ssub.s32 @!p0 $0x0, s1;
	[sflag:s0] =	ssyncset.done @!p0 $0x0  }
0x40: {  	[sflag:s0] =	ssyncadd.s32 @!p0 s1  }
0x41: {  	[bflag:$0x3] =	sbarrier.arrive $0xFFFF  }
0x42: {  	_ =	shalt  }

</sc_bundles>
